<compile_context>
chip_gen: v7x
topology: tpu7x:2x2x1
jax: 0.10.2.dev20260603
libtpu: 0.0.44.dev20260713+nightly
codegen_flags: <defaults>
</compile_context>

<pallas_src>
import jax
import jax.numpy as jnp
from jax import lax
from jax.experimental import pallas as pl
from jax.experimental.pallas import tpu as pltpu
from jax.experimental.pallas import tpu_sc as plsc

NC = 2
NS = 16
NW = NC * NS
L = 16

V = 100000
F = 100000
E = 3200000

F_PAD = 100352
SLICE = F_PAD // NS

EPW = E // NW
CH = 4000
NCHUNK = EPW // CH


def _sc_body(gm_hbm, ef_hbm, vp_hbm, out_hbm,
             vp_v, vs0, vs1, fidx0, fidx1, ef0, ef1,
             shared, sem_in0, sem_in1, sem_sc0, sem_sc1, sem_vp):
  c = lax.axis_index("c")
  s = lax.axis_index("s")
  wid = c * NS + s
  base0 = wid * EPW
  vs_v = (vs0, vs1)
  fidx_v = (fidx0, fidx1)
  ef_v = (ef0, ef1)
  sem_in = (sem_in0, sem_in1)
  sem_sc = (sem_sc0, sem_sc1)

  def start_in(ci, slot):
    b = base0 + ci * CH
    b = jnp.where(b + CH <= E, b, 0)
    pltpu.async_copy(gm_hbm.at[pl.ds(b, CH)], vs_v[slot], sem_in[slot])
    pltpu.async_copy(gm_hbm.at[pl.ds(E + b, CH)], fidx_v[slot], sem_in[slot])
    pltpu.async_copy(ef_hbm.at[pl.ds(b, CH)], ef_v[slot], sem_in[slot])

  def wait_in(slot):
    pltpu.make_async_copy(gm_hbm.at[pl.ds(0, CH)], vs_v[slot],
                          sem_in[slot]).wait()
    pltpu.make_async_copy(gm_hbm.at[pl.ds(0, CH)], fidx_v[slot],
                          sem_in[slot]).wait()
    pltpu.make_async_copy(ef_hbm.at[pl.ds(0, CH)], ef_v[slot],
                          sem_in[slot]).wait()

  def compute(slot):
    @plsc.parallel_loop(0, CH // L, unroll=4)
    def _lanes(j):
      o = j * L
      vals = plsc.load_gather(vp_v, [vs_v[slot][pl.ds(o, L)]])
      ef = ef_v[slot][pl.ds(o, L)]
      ev = ef * vals + (1.0 - ef) * 0.5
      vs_v[slot][pl.ds(o, L)] = jnp.where(ev > 0.5, 1, 0).astype(jnp.int32)

  def start_scatter(slot):
    pltpu.async_copy(vs_v[slot], shared.at[fidx_v[slot]], sem_sc[slot],
                     add=True)

  def wait_scatter(slot):
    pltpu.make_async_copy(vs_v[slot], shared.at[fidx_v[slot]],
                          sem_sc[slot]).wait()

  start_in(0, 0)
  pltpu.async_copy(vp_hbm, vp_v, sem_vp)

  @pl.loop(0, CH // L)
  def _zero(i):
    vs1[pl.ds(i * L, L)] = jnp.zeros((L,), jnp.int32)

  pltpu.sync_copy(vs1, shared.at[pl.ds(s * SLICE, CH)])
  pltpu.sync_copy(vs1.at[pl.ds(0, SLICE - CH)],
                  shared.at[pl.ds(s * SLICE + CH, SLICE - CH)])

  plsc.subcore_barrier()
  pltpu.make_async_copy(vp_hbm, vp_v, sem_vp).wait()

  wait_in(0)
  compute(0)
  start_in(1, 1)
  start_scatter(0)

  @pl.loop(1, NCHUNK, step=2)
  def _pair(ci0):
    for b in range(2):
      ci = ci0 + b
      cur = (1 + b) % 2
      oth = 1 - cur
      wait_in(cur)
      compute(cur)
      wait_scatter(oth)
      start_in(ci + 1, oth)
      start_scatter(cur)

  wait_scatter(0)
  wait_in(1)

  plsc.subcore_barrier()
  pltpu.sync_copy(shared.at[pl.ds(s * SLICE, CH)], vs0)
  pltpu.sync_copy(shared.at[pl.ds(s * SLICE + CH, SLICE - CH)],
                  vs1.at[pl.ds(0, SLICE - CH)])
  pltpu.sync_copy(vs0, out_hbm.at[pl.ds(c * F_PAD + s * SLICE, CH)])
  pltpu.sync_copy(vs1.at[pl.ds(0, SLICE - CH)],
                  out_hbm.at[pl.ds(c * F_PAD + s * SLICE + CH, SLICE - CH)])


def _tc_body(p_ref, bfm_ref, is_sat_ref, unsat_ref):
  nrow = F_PAD // 128
  total = p_ref[:nrow, :] + p_ref[nrow:, :]
  in_batch = bfm_ref[...] == 0
  clause_sat = jnp.logical_and(total > 0, in_batch)
  batch_values = jnp.sum(clause_sat.astype(jnp.int32))
  max_sat = jnp.sum(in_batch.astype(jnp.int32))
  is_sat_ref[...] = jnp.where(batch_values == max_sat, 1.0, 0.0).reshape(1, 1)
  unsat_ref[...] = (max_sat - batch_values).astype(jnp.float32).reshape(1, 1)


@jax.jit
def kernel(variable_prediction, label, graph_map, batch_variable_map,
           batch_function_map, edge_feature, meta_data):
  del label, batch_variable_map, meta_data
  vp = variable_prediction.reshape(V)
  ef = edge_feature.reshape(E)
  gm = graph_map.reshape(2 * E)

  assert NCHUNK % 2 == 1

  mesh = plsc.VectorSubcoreMesh(core_axis_name="c", subcore_axis_name="s")
  partials = pl.kernel(
      _sc_body,
      out_type=jax.ShapeDtypeStruct((NC * F_PAD,), jnp.int32),
      mesh=mesh,
      compiler_params=pltpu.CompilerParams(needs_layout_passes=False),
      scratch_types=[
          pltpu.VMEM((V,), jnp.float32),
          pltpu.VMEM((CH,), jnp.int32),
          pltpu.VMEM((CH,), jnp.int32),
          pltpu.VMEM((CH,), jnp.int32),
          pltpu.VMEM((CH,), jnp.int32),
          pltpu.VMEM((CH,), jnp.float32),
          pltpu.VMEM((CH,), jnp.float32),
          pltpu.VMEM_SHARED((F_PAD,), jnp.int32),
          pltpu.SemaphoreType.DMA,
          pltpu.SemaphoreType.DMA,
          pltpu.SemaphoreType.DMA,
          pltpu.SemaphoreType.DMA,
          pltpu.SemaphoreType.DMA,
      ],
  )(gm, ef, vp)

  bfm = jnp.pad(batch_function_map, (0, F_PAD - F), constant_values=1)

  is_sat, unsat = pl.pallas_call(
      _tc_body,
      out_shape=(
          jax.ShapeDtypeStruct((1, 1), jnp.float32),
          jax.ShapeDtypeStruct((1, 1), jnp.float32),
      ),
  )(partials.reshape(2 * F_PAD // 128, 128),
    bfm.reshape(F_PAD // 128, 128))
  return is_sat, unsat

# --- scband reference (transcript-rebuilt; emitter-appended) ---
"""Pipeline reference for scband-sat-cnfevaluator-75385265979594 (READ-ONLY COPY).

The authoritative reference and input builder live on the scoring server;
editing this copy changes nothing except your own understanding.
"""

import jax, jax.numpy as jnp
import numpy as np

N_VARS = 100000
N_FUNCS = 100000
N_EDGES = 3200000


def setup_inputs(seed: int = 0) -> dict:
    key = jax.random.key(seed)
    k1, k2, k3, k4 = jax.random.split(key, 4)
    variable_prediction = jax.random.uniform(k1, (N_VARS, 1), dtype=jnp.float32)
    graph_map = jnp.stack([
        jax.random.randint(k2, (N_EDGES,), 0, N_VARS, dtype=jnp.int32),
        jax.random.randint(k3, (N_EDGES,), 0, N_FUNCS, dtype=jnp.int32),
    ])
    batch_variable_map = jnp.zeros((N_VARS,), dtype=jnp.int32)
    batch_function_map = jnp.zeros((N_FUNCS,), dtype=jnp.int32)
    edge_feature = jax.random.normal(k4, (N_EDGES, 1), dtype=jnp.float32)
    label = jnp.ones((1, 1), dtype=jnp.float32)
    meta_data = jnp.zeros((1,), dtype=jnp.float32)
    return {
        "variable_prediction": variable_prediction,
        "label": label,
        "graph_map": graph_map,
        "batch_variable_map": batch_variable_map,
        "batch_function_map": batch_function_map,
        "edge_feature": edge_feature,
        "meta_data": meta_data,
    }


def reference(variable_prediction, label, graph_map, batch_variable_map, batch_function_map, edge_feature, meta_data):
    # signed_variable_mask_transpose is a sparse [E, V] matrix whose nonzero at
    # (e, graph_map[0, e]) equals edge_feature[e]. mm with variable_prediction is a
    # per-edge signed gather. function_mask is sparse [F, E] with ones at
    # (graph_map[1, e], e); mm with per-edge values is a scatter-add (segment_sum) per clause.
    vidx = graph_map[0]
    fidx = graph_map[1]
    ef = edge_feature[:, 0]
    # edge_values = signed gather of variable predictions
    edge_values = ef * jnp.take(variable_prediction[:, 0], vidx)
    edge_values = edge_values + (1.0 - ef) / 2.0
    edge_sat = (edge_values > 0.5).astype(jnp.float32)
    function_num = batch_function_map.shape[0]
    clause_values = jax.ops.segment_sum(edge_sat, fidx, num_segments=function_num)
    clause_sat = (clause_values > 0).astype(jnp.float32)
    # batch-level reduction via b_function_mask_transpose (sparse [B, F] of ones)
    batch_size = 1
    max_sat = jax.ops.segment_sum(
        jnp.ones((function_num,), dtype=jnp.float32), batch_function_map, num_segments=batch_size
    )
    batch_values = jax.ops.segment_sum(clause_sat, batch_function_map, num_segments=batch_size)
    is_sat = (max_sat == batch_values).astype(jnp.float32).reshape(-1, 1)
    unsat_count = (max_sat - batch_values).reshape(-1, 1)
    return is_sat, unsat_count

if __name__ == "__main__":
    import jax
    _d = setup_inputs()
    print(jax.jit(kernel)(*tuple(_d.values())))

</pallas_src>

<mosaic_0001>
#map = affine_map<(d0, d1) -> (0)>
module attributes {stable_mosaic.version = 14 : i64} {
  func.func @_sc_body(%arg0: i32, %arg1: i32, %arg2: memref<6400000xi32, #tpu.memory_space<hbm>>, %arg3: memref<3200000xf32, #tpu.memory_space<hbm>>, %arg4: memref<100000xf32, #tpu.memory_space<hbm>>, %arg5: memref<200704xi32, #tpu.memory_space<hbm>>, %arg6: memref<100000xf32, #tpu.memory_space<vmem>>, %arg7: memref<4000xi32, #tpu.memory_space<vmem>>, %arg8: memref<4000xi32, #tpu.memory_space<vmem>>, %arg9: memref<4000xi32, #tpu.memory_space<vmem>>, %arg10: memref<4000xi32, #tpu.memory_space<vmem>>, %arg11: memref<4000xf32, #tpu.memory_space<vmem>>, %arg12: memref<4000xf32, #tpu.memory_space<vmem>>, %arg13: memref<100352xi32, #tpu.memory_space<vmem_shared>>, %arg14: memref<!tpu.dma_semaphore, #tpu.memory_space<semaphore_mem>>, %arg15: memref<!tpu.dma_semaphore, #tpu.memory_space<semaphore_mem>>, %arg16: memref<!tpu.dma_semaphore, #tpu.memory_space<semaphore_mem>>, %arg17: memref<!tpu.dma_semaphore, #tpu.memory_space<semaphore_mem>>, %arg18: memref<!tpu.dma_semaphore, #tpu.memory_space<semaphore_mem>>) attributes {dimension_semantics = [#tpu.dimension_semantics<core_parallel>, #tpu.dimension_semantics<subcore_parallel>], iteration_bounds = array<i64: 2, 16>, scalar_prefetch = 0 : i64, scratch_operands = 13 : i64, tpu.core_type = #tpu.core_type<sc_vector_subcore>, window_params = [{transform_indices = #map}, {transform_indices = #map}, {transform_indices = #map}, {transform_indices = #map}]} {
    %mul3A = arith.constant 16 : i32
    %mul3A_0 = arith.muli %arg0, %mul3A : i32
    %add3A = arith.addi %mul3A_0, %arg1 : i32
    %mul3A_1 = arith.constant 100000 : i32
    %mul3A_2 = arith.muli %add3A, %mul3A_1 : i32
    %add3A_3 = arith.constant 0 : i32
    %add3A_4 = arith.addi %mul3A_2, %add3A_3 : i32
    %add3A_5 = arith.constant 4000 : i32
    %add3A_6 = arith.addi %add3A_4, %add3A_5 : i32
    %le3A = arith.constant 3200000 : i32
    %le3A_7 = arith.cmpi sle, %add3A_6, %le3A : i32
    %jit3A = arith.constant 0 : i32
    %select_n3A = arith.select %le3A_7, %add3A_4, %jit3A : i32
    %dma_start3A = tpu.memref_slice %arg2[%select_n3A] : memref<6400000xi32, #tpu.memory_space<hbm>> -> memref<4000xi32, #tpu.memory_space<hbm>>
    %dma_start3A_8 = tpu.memref_slice %arg2[%select_n3A] : memref<6400000xi32, #tpu.memory_space<hbm>> -> memref<4000xi32, #tpu.memory_space<hbm>>
    tpu.enqueue_dma source(%dma_start3A_8 : memref<4000xi32, #tpu.memory_space<hbm>>) target(%arg7 : memref<4000xi32, #tpu.memory_space<vmem>>) target_semaphore(%arg14 : memref<!tpu.dma_semaphore, #tpu.memory_space<semaphore_mem>>)
    %add3A_9 = arith.constant 3200000 : i32
    %add3A_10 = arith.addi %add3A_9, %select_n3A : i32
    %dma_start3A_11 = tpu.memref_slice %arg2[%add3A_10] : memref<6400000xi32, #tpu.memory_space<hbm>> -> memref<4000xi32, #tpu.memory_space<hbm>>
    %dma_start3A_12 = tpu.memref_slice %arg2[%add3A_10] : memref<6400000xi32, #tpu.memory_space<hbm>> -> memref<4000xi32, #tpu.memory_space<hbm>>
    tpu.enqueue_dma source(%dma_start3A_12 : memref<4000xi32, #tpu.memory_space<hbm>>) target(%arg9 : memref<4000xi32, #tpu.memory_space<vmem>>) target_semaphore(%arg14 : memref<!tpu.dma_semaphore, #tpu.memory_space<semaphore_mem>>)
    %dma_start3A_13 = tpu.memref_slice %arg3[%select_n3A] : memref<3200000xf32, #tpu.memory_space<hbm>> -> memref<4000xf32, #tpu.memory_space<hbm>>
    %dma_start3A_14 = tpu.memref_slice %arg3[%select_n3A] : memref<3200000xf32, #tpu.memory_space<hbm>> -> memref<4000xf32, #tpu.memory_space<hbm>>
    tpu.enqueue_dma source(%dma_start3A_14 : memref<4000xf32, #tpu.memory_space<hbm>>) target(%arg11 : memref<4000xf32, #tpu.memory_space<vmem>>) target_semaphore(%arg14 : memref<!tpu.dma_semaphore, #tpu.memory_space<semaphore_mem>>)
    tpu.enqueue_dma source(%arg4 : memref<100000xf32, #tpu.memory_space<hbm>>) target(%arg6 : memref<100000xf32, #tpu.memory_space<vmem>>) target_semaphore(%arg18 : memref<!tpu.dma_semaphore, #tpu.memory_space<semaphore_mem>>)
    %scan3A = arith.constant 0 : i32
    %scan3A_15 = arith.constant 250 : i32
    %scan3A_16 = arith.addi %scan3A, %scan3A_15 : i32
    %scan3A_17 = arith.constant 1 : i32
    scf.for %scan3A_94 = %scan3A to %scan3A_16 step %scan3A_17  : i32 {
      %mul3A_95 = arith.constant 1 : i32
      %mul3A_96 = arith.muli %scan3A_94, %mul3A_95 : i32
      %add3A_97 = arith.constant 0 : i32
      %add3A_98 = arith.addi %add3A_97, %mul3A_96 : i32
      %broadcast_in_dim3A = arith.constant 0 : i32
      %broadcast_in_dim3A_99 = vector.broadcast %broadcast_in_dim3A : i32 to vector<16xi32>
      %mul3A_100 = arith.constant 16 : i32
      %mul3A_101 = arith.muli %add3A_98, %mul3A_100 : i32
      %swap3A = arith.index_cast %mul3A_101 : i32 to index
      %swap3A_102 = tpu.vector_load %arg8[%swap3A] {strides = array<i32>} : memref<4000xi32, #tpu.memory_space<vmem>>, vector<16xi32>,
      tpu.vector_store %arg8[%swap3A], %broadcast_in_dim3A_99 {strides = array<i32>} : memref<4000xi32, #tpu.memory_space<vmem>>, vector<16xi32>,
    }
    %scan3A_18 = arith.constant 250 : i32
    %mul3A_19 = arith.constant 6272 : i32
    %mul3A_20 = arith.muli %arg1, %mul3A_19 : i32
    "tpu.region"() ({
      %run_scoped3A = tpu.sem_alloc : memref<!tpu.dma_semaphore, #tpu.memory_space<semaphore_mem>>
      %dma_start3A_94 = tpu.memref_slice %arg13[%mul3A_20] : memref<100352xi32, #tpu.memory_space<vmem_shared>> -> memref<4000xi32, #tpu.memory_space<vmem_shared>>
      %dma_start3A_95 = tpu.memref_slice %arg13[%mul3A_20] : memref<100352xi32, #tpu.memory_space<vmem_shared>> -> memref<4000xi32, #tpu.memory_space<vmem_shared>>
      tpu.enqueue_dma source(%arg8 : memref<4000xi32, #tpu.memory_space<vmem>>) target(%dma_start3A_95 : memref<4000xi32, #tpu.memory_space<vmem_shared>>) target_semaphore(%run_scoped3A : memref<!tpu.dma_semaphore, #tpu.memory_space<semaphore_mem>>)
      %dma_wait3A_96 = tpu.memref_slice %arg13[%mul3A_20] : memref<100352xi32, #tpu.memory_space<vmem_shared>> -> memref<4000xi32, #tpu.memory_space<vmem_shared>>
      %dma_wait3A_97 = tpu.memref_slice %arg13[%mul3A_20] : memref<100352xi32, #tpu.memory_space<vmem_shared>> -> memref<4000xi32, #tpu.memory_space<vmem_shared>>
      tpu.wait_dma2 semaphore(%run_scoped3A : memref<!tpu.dma_semaphore, #tpu.memory_space<semaphore_mem>>) src(%arg8 : memref<4000xi32, #tpu.memory_space<vmem>>) dst(%dma_wait3A_97 : memref<4000xi32, #tpu.memory_space<vmem_shared>>)
      tpu.yield
    }) : () -> ()
    %mul3A_21 = arith.constant 6272 : i32
    %mul3A_22 = arith.muli %arg1, %mul3A_21 : i32
    %add3A_23 = arith.constant 4000 : i32
    %add3A_24 = arith.addi %mul3A_22, %add3A_23 : i32
    "tpu.region"() ({
      %run_scoped3A = tpu.sem_alloc : memref<!tpu.dma_semaphore, #tpu.memory_space<semaphore_mem>>
      %dma_start3A_94 = arith.constant 0 : i32
      %dma_start3A_95 = tpu.memref_slice %arg8[%dma_start3A_94] : memref<4000xi32, #tpu.memory_space<vmem>> -> memref<2272xi32, #tpu.memory_space<vmem>>
      %dma_start3A_96 = tpu.memref_slice %arg13[%add3A_24] : memref<100352xi32, #tpu.memory_space<vmem_shared>> -> memref<2272xi32, #tpu.memory_space<vmem_shared>>
      %dma_start3A_97 = tpu.memref_slice %arg13[%add3A_24] : memref<100352xi32, #tpu.memory_space<vmem_shared>> -> memref<2272xi32, #tpu.memory_space<vmem_shared>>
      %dma_start3A_98 = arith.constant 0 : i32
      %dma_start3A_99 = tpu.memref_slice %arg8[%dma_start3A_98] : memref<4000xi32, #tpu.memory_space<vmem>> -> memref<2272xi32, #tpu.memory_space<vmem>>
      tpu.enqueue_dma source(%dma_start3A_99 : memref<2272xi32, #tpu.memory_space<vmem>>) target(%dma_start3A_97 : memref<2272xi32, #tpu.memory_space<vmem_shared>>) target_semaphore(%run_scoped3A : memref<!tpu.dma_semaphore, #tpu.memory_space<semaphore_mem>>)
      %dma_wait3A_100 = arith.constant 0 : i32
      %dma_wait3A_101 = tpu.memref_slice %arg8[%dma_wait3A_100] : memref<4000xi32, #tpu.memory_space<vmem>> -> memref<2272xi32, #tpu.memory_space<vmem>>
      %dma_wait3A_102 = tpu.memref_slice %arg13[%add3A_24] : memref<100352xi32, #tpu.memory_space<vmem_shared>> -> memref<2272xi32, #tpu.memory_space<vmem_shared>>
      %dma_wait3A_103 = tpu.memref_slice %arg13[%add3A_24] : memref<100352xi32, #tpu.memory_space<vmem_shared>> -> memref<2272xi32, #tpu.memory_space<vmem_shared>>
      %dma_wait3A_104 = arith.constant 0 : i32
      %dma_wait3A_105 = tpu.memref_slice %arg8[%dma_wait3A_104] : memref<4000xi32, #tpu.memory_space<vmem>> -> memref<2272xi32, #tpu.memory_space<vmem>>
      tpu.wait_dma2 semaphore(%run_scoped3A : memref<!tpu.dma_semaphore, #tpu.memory_space<semaphore_mem>>) src(%dma_wait3A_105 : memref<2272xi32, #tpu.memory_space<vmem>>) dst(%dma_wait3A_103 : memref<2272xi32, #tpu.memory_space<vmem_shared>>)
      tpu.yield
    }) : () -> ()
    %barrier3A = arith.constant 0 : index
    tpu.barrier barrier_id(%barrier3A)
    tpu.wait_dma2 semaphore(%arg18 : memref<!tpu.dma_semaphore, #tpu.memory_space<semaphore_mem>>) src(%arg4 : memref<100000xf32, #tpu.memory_space<hbm>>) dst(%arg6 : memref<100000xf32, #tpu.memory_space<vmem>>)
    %dma_wait3A = arith.constant 0 : i32
    %dma_wait3A_25 = tpu.memref_slice %arg2[%dma_wait3A] : memref<6400000xi32, #tpu.memory_space<hbm>> -> memref<4000xi32, #tpu.memory_space<hbm>>
    %dma_wait3A_26 = arith.constant 0 : i32
    %dma_wait3A_27 = tpu.memref_slice %arg2[%dma_wait3A_26] : memref<6400000xi32, #tpu.memory_space<hbm>> -> memref<4000xi32, #tpu.memory_space<hbm>>
    tpu.wait_dma2 semaphore(%arg14 : memref<!tpu.dma_semaphore, #tpu.memory_space<semaphore_mem>>) src(%dma_wait3A_27 : memref<4000xi32, #tpu.memory_space<hbm>>) dst(%arg7 : memref<4000xi32, #tpu.memory_space<vmem>>)
    %dma_wait3A_28 = arith.constant 0 : i32
    %dma_wait3A_29 = tpu.memref_slice %arg2[%dma_wait3A_28] : memref<6400000xi32, #tpu.memory_space<hbm>> -> memref<4000xi32, #tpu.memory_space<hbm>>
    %dma_wait3A_30 = arith.constant 0 : i32
    %dma_wait3A_31 = tpu.memref_slice %arg2[%dma_wait3A_30] : memref<6400000xi32, #tpu.memory_space<hbm>> -> memref<4000xi32, #tpu.memory_space<hbm>>
    tpu.wait_dma2 semaphore(%arg14 : memref<!tpu.dma_semaphore, #tpu.memory_space<semaphore_mem>>) src(%dma_wait3A_31 : memref<4000xi32, #tpu.memory_space<hbm>>) dst(%arg9 : memref<4000xi32, #tpu.memory_space<vmem>>)
    %dma_wait3A_32 = arith.constant 0 : i32
    %dma_wait3A_33 = tpu.memref_slice %arg3[%dma_wait3A_32] : memref<3200000xf32, #tpu.memory_space<hbm>> -> memref<4000xf32, #tpu.memory_space<hbm>>
    %dma_wait3A_34 = arith.constant 0 : i32
    %dma_wait3A_35 = tpu.memref_slice %arg3[%dma_wait3A_34] : memref<3200000xf32, #tpu.memory_space<hbm>> -> memref<4000xf32, #tpu.memory_space<hbm>>
    tpu.wait_dma2 semaphore(%arg14 : memref<!tpu.dma_semaphore, #tpu.memory_space<semaphore_mem>>) src(%dma_wait3A_35 : memref<4000xf32, #tpu.memory_space<hbm>>) dst(%arg11 : memref<4000xf32, #tpu.memory_space<vmem>>)
    %parallel_loop3A = arith.constant 0 : i32
    %parallel_loop3A_36 = arith.constant 250 : i32
    %parallel_loop3A_37 = arith.constant 1 : i32
    scf.for %parallel_loop3A_94 = %parallel_loop3A to %parallel_loop3A_36 step %parallel_loop3A_37  : i32 {
      %parallel_loop3A_95 = arith.constant 16 : i32
      %parallel_loop3A_96 = arith.muli %parallel_loop3A_94, %parallel_loop3A_95 : i32
      %parallel_loop3A_97 = arith.index_cast %parallel_loop3A_96 : i32 to index
      %parallel_loop3A_98 = tpu.vector_load %arg7[%parallel_loop3A_97] {strides = array<i32>} : memref<4000xi32, #tpu.memory_space<vmem>>, vector<16xi32>,
      %parallel_loop3A_99 = tpu.vector_load_idx %arg6[%parallel_loop3A_98] : memref<100000xf32, #tpu.memory_space<vmem>>[vector<16xi32>], vector<16xf32>,
      %parallel_loop3A_100 = arith.index_cast %parallel_loop3A_96 : i32 to index
      %parallel_loop3A_101 = tpu.vector_load %arg11[%parallel_loop3A_100] {strides = array<i32>} : memref<4000xf32, #tpu.memory_space<vmem>>, vector<16xf32>,
      %parallel_loop3A_102 = arith.mulf %parallel_loop3A_101, %parallel_loop3A_99 : vector<16xf32>
      %parallel_loop3A_103 = arith.constant 1.000000e+00 : f32
      %parallel_loop3A_104 = vector.broadcast %parallel_loop3A_103 : f32 to vector<16xf32>
      %parallel_loop3A_105 = arith.subf %parallel_loop3A_104, %parallel_loop3A_101 : vector<16xf32>
      %parallel_loop3A_106 = arith.constant 5.000000e-01 : f32
      %parallel_loop3A_107 = vector.broadcast %parallel_loop3A_106 : f32 to vector<16xf32>
      %parallel_loop3A_108 = arith.mulf %parallel_loop3A_105, %parallel_loop3A_107 : vector<16xf32>
      %parallel_loop3A_109 = arith.addf %parallel_loop3A_102, %parallel_loop3A_108 : vector<16xf32>
      %parallel_loop3A_110 = arith.constant 5.000000e-01 : f32
      %parallel_loop3A_111 = vector.broadcast %parallel_loop3A_110 : f32 to vector<16xf32>
      %parallel_loop3A_112 = arith.cmpf ogt, %parallel_loop3A_109, %parallel_loop3A_111 : vector<16xf32>
      %parallel_loop3A_113 = arith.constant 1 : i32
      %parallel_loop3A_114 = arith.constant 0 : i32
      %parallel_loop3A_115 = vector.broadcast %parallel_loop3A_113 : i32 to vector<16xi32>
      %parallel_loop3A_116 = vector.broadcast %parallel_loop3A_114 : i32 to vector<16xi32>
      %parallel_loop3A_117 = arith.select %parallel_loop3A_112, %parallel_loop3A_115, %parallel_loop3A_116 : vector<16xi1>, vector<16xi32>
      %parallel_loop3A_118 = arith.index_cast %parallel_loop3A_96 : i32 to index
      %parallel_loop3A_119 = tpu.vector_load %arg7[%parallel_loop3A_118] {strides = array<i32>} : memref<4000xi32, #tpu.memory_space<vmem>>, vector<16xi32>,
      tpu.vector_store %arg7[%parallel_loop3A_118], %parallel_loop3A_117 {strides = array<i32>} : memref<4000xi32, #tpu.memory_space<vmem>>, vector<16xi32>,
    } {sc.loop_unroll_factor = 4 : i64, sc.parallel_access}
    %add3A_38 = arith.constant 4000 : i32
    %add3A_39 = arith.addi %mul3A_2, %add3A_38 : i32
    %add3A_40 = arith.constant 4000 : i32
    %add3A_41 = arith.addi %add3A_39, %add3A_40 : i32
    %le3A_42 = arith.constant 3200000 : i32
    %le3A_43 = arith.cmpi sle, %add3A_41, %le3A_42 : i32
    %jit3A_44 = arith.constant 0 : i32
    %select_n3A_45 = arith.select %le3A_43, %add3A_39, %jit3A_44 : i32
    %dma_start3A_46 = tpu.memref_slice %arg2[%select_n3A_45] : memref<6400000xi32, #tpu.memory_space<hbm>> -> memref<4000xi32, #tpu.memory_space<hbm>>
    %dma_start3A_47 = tpu.memref_slice %arg2[%select_n3A_45] : memref<6400000xi32, #tpu.memory_space<hbm>> -> memref<4000xi32, #tpu.memory_space<hbm>>
    tpu.enqueue_dma source(%dma_start3A_47 : memref<4000xi32, #tpu.memory_space<hbm>>) target(%arg8 : memref<4000xi32, #tpu.memory_space<vmem>>) target_semaphore(%arg15 : memref<!tpu.dma_semaphore, #tpu.memory_space<semaphore_mem>>)
    %add3A_48 = arith.constant 3200000 : i32
    %add3A_49 = arith.addi %add3A_48, %select_n3A_45 : i32
    %dma_start3A_50 = tpu.memref_slice %arg2[%add3A_49] : memref<6400000xi32, #tpu.memory_space<hbm>> -> memref<4000xi32, #tpu.memory_space<hbm>>
    %dma_start3A_51 = tpu.memref_slice %arg2[%add3A_49] : memref<6400000xi32, #tpu.memory_space<hbm>> -> memref<4000xi32, #tpu.memory_space<hbm>>
    tpu.enqueue_dma source(%dma_start3A_51 : memref<4000xi32, #tpu.memory_space<hbm>>) target(%arg10 : memref<4000xi32, #tpu.memory_space<vmem>>) target_semaphore(%arg15 : memref<!tpu.dma_semaphore, #tpu.memory_space<semaphore_mem>>)
    %dma_start3A_52 = tpu.memref_slice %arg3[%select_n3A_45] : memref<3200000xf32, #tpu.memory_space<hbm>> -> memref<4000xf32, #tpu.memory_space<hbm>>
    %dma_start3A_53 = tpu.memref_slice %arg3[%select_n3A_45] : memref<3200000xf32, #tpu.memory_space<hbm>> -> memref<4000xf32, #tpu.memory_space<hbm>>
    tpu.enqueue_dma source(%dma_start3A_53 : memref<4000xf32, #tpu.memory_space<hbm>>) target(%arg12 : memref<4000xf32, #tpu.memory_space<vmem>>) target_semaphore(%arg15 : memref<!tpu.dma_semaphore, #tpu.memory_space<semaphore_mem>>)
    %dma_start3A_54 = arith.constant 0 : i32
    %dma_start3A_55 = tpu.memref_slice %arg13[%dma_start3A_54] : memref<100352xi32, #tpu.memory_space<vmem_shared>> -> memref<100352xi32, #tpu.memory_space<vmem_shared>>
    tpu.enqueue_indirect_dma source(%arg7 : memref<4000xi32, #tpu.memory_space<vmem>>) target(%dma_start3A_55 : memref<100352xi32, #tpu.memory_space<vmem_shared>>) offsets(%arg9 : memref<4000xi32, #tpu.memory_space<vmem>>) semaphore(%arg16 : memref<!tpu.dma_semaphore, #tpu.memory_space<semaphore_mem>>) {add = true}
    %scan3A_56 = arith.constant 0 : i32
    %scan3A_57 = arith.constant 12 : i32
    %scan3A_58 = arith.addi %scan3A_56, %scan3A_57 : i32
    %scan3A_59 = arith.constant 1 : i32
    scf.for %scan3A_94 = %scan3A_56 to %scan3A_58 step %scan3A_59  : i32 {
      %mul3A_95 = arith.constant 2 : i32
      %mul3A_96 = arith.muli %scan3A_94, %mul3A_95 : i32
      %add3A_97 = arith.constant 1 : i32
      %add3A_98 = arith.addi %add3A_97, %mul3A_96 : i32
      %add3A_99 = arith.constant 0 : i32
      %add3A_100 = arith.addi %add3A_98, %add3A_99 : i32
      %dma_wait3A_101 = arith.constant 0 : i32
      %dma_wait3A_102 = tpu.memref_slice %arg2[%dma_wait3A_101] : memref<6400000xi32, #tpu.memory_space<hbm>> -> memref<4000xi32, #tpu.memory_space<hbm>>
      %dma_wait3A_103 = arith.constant 0 : i32
      %dma_wait3A_104 = tpu.memref_slice %arg2[%dma_wait3A_103] : memref<6400000xi32, #tpu.memory_space<hbm>> -> memref<4000xi32, #tpu.memory_space<hbm>>
      tpu.wait_dma2 semaphore(%arg15 : memref<!tpu.dma_semaphore, #tpu.memory_space<semaphore_mem>>) src(%dma_wait3A_104 : memref<4000xi32, #tpu.memory_space<hbm>>) dst(%arg8 : memref<4000xi32, #tpu.memory_space<vmem>>)
      %dma_wait3A_105 = arith.constant 0 : i32
      %dma_wait3A_106 = tpu.memref_slice %arg2[%dma_wait3A_105] : memref<6400000xi32, #tpu.memory_space<hbm>> -> memref<4000xi32, #tpu.memory_space<hbm>>
      %dma_wait3A_107 = arith.constant 0 : i32
      %dma_wait3A_108 = tpu.memref_slice %arg2[%dma_wait3A_107] : memref<6400000xi32, #tpu.memory_space<hbm>> -> memref<4000xi32, #tpu.memory_space<hbm>>
      tpu.wait_dma2 semaphore(%arg15 : memref<!tpu.dma_semaphore, #tpu.memory_space<semaphore_mem>>) src(%dma_wait3A_108 : memref<4000xi32, #tpu.memory_space<hbm>>) dst(%arg10 : memref<4000xi32, #tpu.memory_space<vmem>>)
      %dma_wait3A_109 = arith.constant 0 : i32
      %dma_wait3A_110 = tpu.memref_slice %arg3[%dma_wait3A_109] : memref<3200000xf32, #tpu.memory_space<hbm>> -> memref<4000xf32, #tpu.memory_space<hbm>>
      %dma_wait3A_111 = arith.constant 0 : i32
      %dma_wait3A_112 = tpu.memref_slice %arg3[%dma_wait3A_111] : memref<3200000xf32, #tpu.memory_space<hbm>> -> memref<4000xf32, #tpu.memory_space<hbm>>
      tpu.wait_dma2 semaphore(%arg15 : memref<!tpu.dma_semaphore, #tpu.memory_space<semaphore_mem>>) src(%dma_wait3A_112 : memref<4000xf32, #tpu.memory_space<hbm>>) dst(%arg12 : memref<4000xf32, #tpu.memory_space<vmem>>)
      %parallel_loop3A_113 = arith.constant 0 : i32
      %parallel_loop3A_114 = arith.constant 250 : i32
      %parallel_loop3A_115 = arith.constant 1 : i32
      scf.for %parallel_loop3A_179 = %parallel_loop3A_113 to %parallel_loop3A_114 step %parallel_loop3A_115  : i32 {
        %parallel_loop3A_180 = arith.constant 16 : i32
        %parallel_loop3A_181 = arith.muli %parallel_loop3A_179, %parallel_loop3A_180 : i32
        %parallel_loop3A_182 = arith.index_cast %parallel_loop3A_181 : i32 to index
        %parallel_loop3A_183 = tpu.vector_load %arg8[%parallel_loop3A_182] {strides = array<i32>} : memref<4000xi32, #tpu.memory_space<vmem>>, vector<16xi32>,
        %parallel_loop3A_184 = tpu.vector_load_idx %arg6[%parallel_loop3A_183] : memref<100000xf32, #tpu.memory_space<vmem>>[vector<16xi32>], vector<16xf32>,
        %parallel_loop3A_185 = arith.index_cast %parallel_loop3A_181 : i32 to index
        %parallel_loop3A_186 = tpu.vector_load %arg12[%parallel_loop3A_185] {strides = array<i32>} : memref<4000xf32, #tpu.memory_space<vmem>>, vector<16xf32>,
        %parallel_loop3A_187 = arith.mulf %parallel_loop3A_186, %parallel_loop3A_184 : vector<16xf32>
        %parallel_loop3A_188 = arith.constant 1.000000e+00 : f32
        %parallel_loop3A_189 = vector.broadcast %parallel_loop3A_188 : f32 to vector<16xf32>
        %parallel_loop3A_190 = arith.subf %parallel_loop3A_189, %parallel_loop3A_186 : vector<16xf32>
        %parallel_loop3A_191 = arith.constant 5.000000e-01 : f32
        %parallel_loop3A_192 = vector.broadcast %parallel_loop3A_191 : f32 to vector<16xf32>
        %parallel_loop3A_193 = arith.mulf %parallel_loop3A_190, %parallel_loop3A_192 : vector<16xf32>
        %parallel_loop3A_194 = arith.addf %parallel_loop3A_187, %parallel_loop3A_193 : vector<16xf32>
        %parallel_loop3A_195 = arith.constant 5.000000e-01 : f32
        %parallel_loop3A_196 = vector.broadcast %parallel_loop3A_195 : f32 to vector<16xf32>
        %parallel_loop3A_197 = arith.cmpf ogt, %parallel_loop3A_194, %parallel_loop3A_196 : vector<16xf32>
        %parallel_loop3A_198 = arith.constant 1 : i32
        %parallel_loop3A_199 = arith.constant 0 : i32
        %parallel_loop3A_200 = vector.broadcast %parallel_loop3A_198 : i32 to vector<16xi32>
        %parallel_loop3A_201 = vector.broadcast %parallel_loop3A_199 : i32 to vector<16xi32>
        %parallel_loop3A_202 = arith.select %parallel_loop3A_197, %parallel_loop3A_200, %parallel_loop3A_201 : vector<16xi1>, vector<16xi32>
        %parallel_loop3A_203 = arith.index_cast %parallel_loop3A_181 : i32 to index
        %parallel_loop3A_204 = tpu.vector_load %arg8[%parallel_loop3A_203] {strides = array<i32>} : memref<4000xi32, #tpu.memory_space<vmem>>, vector<16xi32>,
        tpu.vector_store %arg8[%parallel_loop3A_203], %parallel_loop3A_202 {strides = array<i32>} : memref<4000xi32, #tpu.memory_space<vmem>>, vector<16xi32>,
      } {sc.loop_unroll_factor = 4 : i64, sc.parallel_access}
      %dma_wait3A_116 = arith.constant 0 : i32
      %dma_wait3A_117 = tpu.memref_slice %arg13[%dma_wait3A_116] : memref<100352xi32, #tpu.memory_space<vmem_shared>> -> memref<100352xi32, #tpu.memory_space<vmem_shared>>
      tpu.wait_indirect_dma semaphore(%arg16 : memref<!tpu.dma_semaphore, #tpu.memory_space<semaphore_mem>>) src(%arg7 : memref<4000xi32, #tpu.memory_space<vmem>>) dst(%dma_wait3A_117 : memref<100352xi32, #tpu.memory_space<vmem_shared>>)
      %add3A_118 = arith.constant 1 : i32
      %add3A_119 = arith.addi %add3A_100, %add3A_118 : i32
      %mul3A_120 = arith.constant 4000 : i32
      %mul3A_121 = arith.muli %add3A_119, %mul3A_120 : i32
      %add3A_122 = arith.addi %mul3A_2, %mul3A_121 : i32
      %add3A_123 = arith.constant 4000 : i32
      %add3A_124 = arith.addi %add3A_122, %add3A_123 : i32
      %le3A_125 = arith.constant 3200000 : i32
      %le3A_126 = arith.cmpi sle, %add3A_124, %le3A_125 : i32
      %jit3A_127 = arith.constant 0 : i32
      %select_n3A_128 = arith.select %le3A_126, %add3A_122, %jit3A_127 : i32
      %dma_start3A_129 = tpu.memref_slice %arg2[%select_n3A_128] : memref<6400000xi32, #tpu.memory_space<hbm>> -> memref<4000xi32, #tpu.memory_space<hbm>>
      %dma_start3A_130 = tpu.memref_slice %arg2[%select_n3A_128] : memref<6400000xi32, #tpu.memory_space<hbm>> -> memref<4000xi32, #tpu.memory_space<hbm>>
      tpu.enqueue_dma source(%dma_start3A_130 : memref<4000xi32, #tpu.memory_space<hbm>>) target(%arg7 : memref<4000xi32, #tpu.memory_space<vmem>>) target_semaphore(%arg14 : memref<!tpu.dma_semaphore, #tpu.memory_space<semaphore_mem>>)
      %add3A_131 = arith.constant 3200000 : i32
      %add3A_132 = arith.addi %add3A_131, %select_n3A_128 : i32
      %dma_start3A_133 = tpu.memref_slice %arg2[%add3A_132] : memref<6400000xi32, #tpu.memory_space<hbm>> -> memref<4000xi32, #tpu.memory_space<hbm>>
      %dma_start3A_134 = tpu.memref_slice %arg2[%add3A_132] : memref<6400000xi32, #tpu.memory_space<hbm>> -> memref<4000xi32, #tpu.memory_space<hbm>>
      tpu.enqueue_dma source(%dma_start3A_134 : memref<4000xi32, #tpu.memory_space<hbm>>) target(%arg9 : memref<4000xi32, #tpu.memory_space<vmem>>) target_semaphore(%arg14 : memref<!tpu.dma_semaphore, #tpu.memory_space<semaphore_mem>>)
      %dma_start3A_135 = tpu.memref_slice %arg3[%select_n3A_128] : memref<3200000xf32, #tpu.memory_space<hbm>> -> memref<4000xf32, #tpu.memory_space<hbm>>
      %dma_start3A_136 = tpu.memref_slice %arg3[%select_n3A_128] : memref<3200000xf32, #tpu.memory_space<hbm>> -> memref<4000xf32, #tpu.memory_space<hbm>>
      tpu.enqueue_dma source(%dma_start3A_136 : memref<4000xf32, #tpu.memory_space<hbm>>) target(%arg11 : memref<4000xf32, #tpu.memory_space<vmem>>) target_semaphore(%arg14 : memref<!tpu.dma_semaphore, #tpu.memory_space<semaphore_mem>>)
      %dma_start3A_137 = arith.constant 0 : i32
      %dma_start3A_138 = tpu.memref_slice %arg13[%dma_start3A_137] : memref<100352xi32, #tpu.memory_space<vmem_shared>> -> memref<100352xi32, #tpu.memory_space<vmem_shared>>
      tpu.enqueue_indirect_dma source(%arg8 : memref<4000xi32, #tpu.memory_space<vmem>>) target(%dma_start3A_138 : memref<100352xi32, #tpu.memory_space<vmem_shared>>) offsets(%arg10 : memref<4000xi32, #tpu.memory_space<vmem>>) semaphore(%arg17 : memref<!tpu.dma_semaphore, #tpu.memory_space<semaphore_mem>>) {add = true}
      %add3A_139 = arith.constant 1 : i32
      %add3A_140 = arith.addi %add3A_98, %add3A_139 : i32
      %dma_wait3A_141 = arith.constant 0 : i32
      %dma_wait3A_142 = tpu.memref_slice %arg2[%dma_wait3A_141] : memref<6400000xi32, #tpu.memory_space<hbm>> -> memref<4000xi32, #tpu.memory_space<hbm>>
      %dma_wait3A_143 = arith.constant 0 : i32
      %dma_wait3A_144 = tpu.memref_slice %arg2[%dma_wait3A_143] : memref<6400000xi32, #tpu.memory_space<hbm>> -> memref<4000xi32, #tpu.memory_space<hbm>>
      tpu.wait_dma2 semaphore(%arg14 : memref<!tpu.dma_semaphore, #tpu.memory_space<semaphore_mem>>) src(%dma_wait3A_144 : memref<4000xi32, #tpu.memory_space<hbm>>) dst(%arg7 : memref<4000xi32, #tpu.memory_space<vmem>>)
      %dma_wait3A_145 = arith.constant 0 : i32
      %dma_wait3A_146 = tpu.memref_slice %arg2[%dma_wait3A_145] : memref<6400000xi32, #tpu.memory_space<hbm>> -> memref<4000xi32, #tpu.memory_space<hbm>>
      %dma_wait3A_147 = arith.constant 0 : i32
      %dma_wait3A_148 = tpu.memref_slice %arg2[%dma_wait3A_147] : memref<6400000xi32, #tpu.memory_space<hbm>> -> memref<4000xi32, #tpu.memory_space<hbm>>
      tpu.wait_dma2 semaphore(%arg14 : memref<!tpu.dma_semaphore, #tpu.memory_space<semaphore_mem>>) src(%dma_wait3A_148 : memref<4000xi32, #tpu.memory_space<hbm>>) dst(%arg9 : memref<4000xi32, #tpu.memory_space<vmem>>)
      %dma_wait3A_149 = arith.constant 0 : i32
      %dma_wait3A_150 = tpu.memref_slice %arg3[%dma_wait3A_149] : memref<3200000xf32, #tpu.memory_space<hbm>> -> memref<4000xf32, #tpu.memory_space<hbm>>
      %dma_wait3A_151 = arith.constant 0 : i32
      %dma_wait3A_152 = tpu.memref_slice %arg3[%dma_wait3A_151] : memref<3200000xf32, #tpu.memory_space<hbm>> -> memref<4000xf32, #tpu.memory_space<hbm>>
      tpu.wait_dma2 semaphore(%arg14 : memref<!tpu.dma_semaphore, #tpu.memory_space<semaphore_mem>>) src(%dma_wait3A_152 : memref<4000xf32, #tpu.memory_space<hbm>>) dst(%arg11 : memref<4000xf32, #tpu.memory_space<vmem>>)
      %parallel_loop3A_153 = arith.constant 0 : i32
      %parallel_loop3A_154 = arith.constant 250 : i32
      %parallel_loop3A_155 = arith.constant 1 : i32
      scf.for %parallel_loop3A_179 = %parallel_loop3A_153 to %parallel_loop3A_154 step %parallel_loop3A_155  : i32 {
        %parallel_loop3A_180 = arith.constant 16 : i32
        %parallel_loop3A_181 = arith.muli %parallel_loop3A_179, %parallel_loop3A_180 : i32
        %parallel_loop3A_182 = arith.index_cast %parallel_loop3A_181 : i32 to index
        %parallel_loop3A_183 = tpu.vector_load %arg7[%parallel_loop3A_182] {strides = array<i32>} : memref<4000xi32, #tpu.memory_space<vmem>>, vector<16xi32>,
        %parallel_loop3A_184 = tpu.vector_load_idx %arg6[%parallel_loop3A_183] : memref<100000xf32, #tpu.memory_space<vmem>>[vector<16xi32>], vector<16xf32>,
        %parallel_loop3A_185 = arith.index_cast %parallel_loop3A_181 : i32 to index
        %parallel_loop3A_186 = tpu.vector_load %arg11[%parallel_loop3A_185] {strides = array<i32>} : memref<4000xf32, #tpu.memory_space<vmem>>, vector<16xf32>,
        %parallel_loop3A_187 = arith.mulf %parallel_loop3A_186, %parallel_loop3A_184 : vector<16xf32>
        %parallel_loop3A_188 = arith.constant 1.000000e+00 : f32
        %parallel_loop3A_189 = vector.broadcast %parallel_loop3A_188 : f32 to vector<16xf32>
        %parallel_loop3A_190 = arith.subf %parallel_loop3A_189, %parallel_loop3A_186 : vector<16xf32>
        %parallel_loop3A_191 = arith.constant 5.000000e-01 : f32
        %parallel_loop3A_192 = vector.broadcast %parallel_loop3A_191 : f32 to vector<16xf32>
        %parallel_loop3A_193 = arith.mulf %parallel_loop3A_190, %parallel_loop3A_192 : vector<16xf32>
        %parallel_loop3A_194 = arith.addf %parallel_loop3A_187, %parallel_loop3A_193 : vector<16xf32>
        %parallel_loop3A_195 = arith.constant 5.000000e-01 : f32
        %parallel_loop3A_196 = vector.broadcast %parallel_loop3A_195 : f32 to vector<16xf32>
        %parallel_loop3A_197 = arith.cmpf ogt, %parallel_loop3A_194, %parallel_loop3A_196 : vector<16xf32>
        %parallel_loop3A_198 = arith.constant 1 : i32
        %parallel_loop3A_199 = arith.constant 0 : i32
        %parallel_loop3A_200 = vector.broadcast %parallel_loop3A_198 : i32 to vector<16xi32>
        %parallel_loop3A_201 = vector.broadcast %parallel_loop3A_199 : i32 to vector<16xi32>
        %parallel_loop3A_202 = arith.select %parallel_loop3A_197, %parallel_loop3A_200, %parallel_loop3A_201 : vector<16xi1>, vector<16xi32>
        %parallel_loop3A_203 = arith.index_cast %parallel_loop3A_181 : i32 to index
        %parallel_loop3A_204 = tpu.vector_load %arg7[%parallel_loop3A_203] {strides = array<i32>} : memref<4000xi32, #tpu.memory_space<vmem>>, vector<16xi32>,
        tpu.vector_store %arg7[%parallel_loop3A_203], %parallel_loop3A_202 {strides = array<i32>} : memref<4000xi32, #tpu.memory_space<vmem>>, vector<16xi32>,
      } {sc.loop_unroll_factor = 4 : i64, sc.parallel_access}
      %dma_wait3A_156 = arith.constant 0 : i32
      %dma_wait3A_157 = tpu.memref_slice %arg13[%dma_wait3A_156] : memref<100352xi32, #tpu.memory_space<vmem_shared>> -> memref<100352xi32, #tpu.memory_space<vmem_shared>>
      tpu.wait_indirect_dma semaphore(%arg17 : memref<!tpu.dma_semaphore, #tpu.memory_space<semaphore_mem>>) src(%arg8 : memref<4000xi32, #tpu.memory_space<vmem>>) dst(%dma_wait3A_157 : memref<100352xi32, #tpu.memory_space<vmem_shared>>)
      %add3A_158 = arith.constant 1 : i32
      %add3A_159 = arith.addi %add3A_140, %add3A_158 : i32
      %mul3A_160 = arith.constant 4000 : i32
      %mul3A_161 = arith.muli %add3A_159, %mul3A_160 : i32
      %add3A_162 = arith.addi %mul3A_2, %mul3A_161 : i32
      %add3A_163 = arith.constant 4000 : i32
      %add3A_164 = arith.addi %add3A_162, %add3A_163 : i32
      %le3A_165 = arith.constant 3200000 : i32
      %le3A_166 = arith.cmpi sle, %add3A_164, %le3A_165 : i32
      %jit3A_167 = arith.constant 0 : i32
      %select_n3A_168 = arith.select %le3A_166, %add3A_162, %jit3A_167 : i32
      %dma_start3A_169 = tpu.memref_slice %arg2[%select_n3A_168] : memref<6400000xi32, #tpu.memory_space<hbm>> -> memref<4000xi32, #tpu.memory_space<hbm>>
      %dma_start3A_170 = tpu.memref_slice %arg2[%select_n3A_168] : memref<6400000xi32, #tpu.memory_space<hbm>> -> memref<4000xi32, #tpu.memory_space<hbm>>
      tpu.enqueue_dma source(%dma_start3A_170 : memref<4000xi32, #tpu.memory_space<hbm>>) target(%arg8 : memref<4000xi32, #tpu.memory_space<vmem>>) target_semaphore(%arg15 : memref<!tpu.dma_semaphore, #tpu.memory_space<semaphore_mem>>)
      %add3A_171 = arith.constant 3200000 : i32
      %add3A_172 = arith.addi %add3A_171, %select_n3A_168 : i32
      %dma_start3A_173 = tpu.memref_slice %arg2[%add3A_172] : memref<6400000xi32, #tpu.memory_space<hbm>> -> memref<4000xi32, #tpu.memory_space<hbm>>
      %dma_start3A_174 = tpu.memref_slice %arg2[%add3A_172] : memref<6400000xi32, #tpu.memory_space<hbm>> -> memref<4000xi32, #tpu.memory_space<hbm>>
      tpu.enqueue_dma source(%dma_start3A_174 : memref<4000xi32, #tpu.memory_space<hbm>>) target(%arg10 : memref<4000xi32, #tpu.memory_space<vmem>>) target_semaphore(%arg15 : memref<!tpu.dma_semaphore, #tpu.memory_space<semaphore_mem>>)
      %dma_start3A_175 = tpu.memref_slice %arg3[%select_n3A_168] : memref<3200000xf32, #tpu.memory_space<hbm>> -> memref<4000xf32, #tpu.memory_space<hbm>>
      %dma_start3A_176 = tpu.memref_slice %arg3[%select_n3A_168] : memref<3200000xf32, #tpu.memory_space<hbm>> -> memref<4000xf32, #tpu.memory_space<hbm>>
      tpu.enqueue_dma source(%dma_start3A_176 : memref<4000xf32, #tpu.memory_space<hbm>>) target(%arg12 : memref<4000xf32, #tpu.memory_space<vmem>>) target_semaphore(%arg15 : memref<!tpu.dma_semaphore, #tpu.memory_space<semaphore_mem>>)
      %dma_start3A_177 = arith.constant 0 : i32
      %dma_start3A_178 = tpu.memref_slice %arg13[%dma_start3A_177] : memref<100352xi32, #tpu.memory_space<vmem_shared>> -> memref<100352xi32, #tpu.memory_space<vmem_shared>>
      tpu.enqueue_indirect_dma source(%arg7 : memref<4000xi32, #tpu.memory_space<vmem>>) target(%dma_start3A_178 : memref<100352xi32, #tpu.memory_space<vmem_shared>>) offsets(%arg9 : memref<4000xi32, #tpu.memory_space<vmem>>) semaphore(%arg16 : memref<!tpu.dma_semaphore, #tpu.memory_space<semaphore_mem>>) {add = true}
    }
    %scan3A_60 = arith.constant 12 : i32
    %dma_wait3A_61 = arith.constant 0 : i32
    %dma_wait3A_62 = tpu.memref_slice %arg13[%dma_wait3A_61] : memref<100352xi32, #tpu.memory_space<vmem_shared>> -> memref<100352xi32, #tpu.memory_space<vmem_shared>>
    tpu.wait_indirect_dma semaphore(%arg16 : memref<!tpu.dma_semaphore, #tpu.memory_space<semaphore_mem>>) src(%arg7 : memref<4000xi32, #tpu.memory_space<vmem>>) dst(%dma_wait3A_62 : memref<100352xi32, #tpu.memory_space<vmem_shared>>)
    %dma_wait3A_63 = arith.constant 0 : i32
    %dma_wait3A_64 = tpu.memref_slice %arg2[%dma_wait3A_63] : memref<6400000xi32, #tpu.memory_space<hbm>> -> memref<4000xi32, #tpu.memory_space<hbm>>
    %dma_wait3A_65 = arith.constant 0 : i32
    %dma_wait3A_66 = tpu.memref_slice %arg2[%dma_wait3A_65] : memref<6400000xi32, #tpu.memory_space<hbm>> -> memref<4000xi32, #tpu.memory_space<hbm>>
    tpu.wait_dma2 semaphore(%arg15 : memref<!tpu.dma_semaphore, #tpu.memory_space<semaphore_mem>>) src(%dma_wait3A_66 : memref<4000xi32, #tpu.memory_space<hbm>>) dst(%arg8 : memref<4000xi32, #tpu.memory_space<vmem>>)
    %dma_wait3A_67 = arith.constant 0 : i32
    %dma_wait3A_68 = tpu.memref_slice %arg2[%dma_wait3A_67] : memref<6400000xi32, #tpu.memory_space<hbm>> -> memref<4000xi32, #tpu.memory_space<hbm>>
    %dma_wait3A_69 = arith.constant 0 : i32
    %dma_wait3A_70 = tpu.memref_slice %arg2[%dma_wait3A_69] : memref<6400000xi32, #tpu.memory_space<hbm>> -> memref<4000xi32, #tpu.memory_space<hbm>>
    tpu.wait_dma2 semaphore(%arg15 : memref<!tpu.dma_semaphore, #tpu.memory_space<semaphore_mem>>) src(%dma_wait3A_70 : memref<4000xi32, #tpu.memory_space<hbm>>) dst(%arg10 : memref<4000xi32, #tpu.memory_space<vmem>>)
    %dma_wait3A_71 = arith.constant 0 : i32
    %dma_wait3A_72 = tpu.memref_slice %arg3[%dma_wait3A_71] : memref<3200000xf32, #tpu.memory_space<hbm>> -> memref<4000xf32, #tpu.memory_space<hbm>>
    %dma_wait3A_73 = arith.constant 0 : i32
    %dma_wait3A_74 = tpu.memref_slice %arg3[%dma_wait3A_73] : memref<3200000xf32, #tpu.memory_space<hbm>> -> memref<4000xf32, #tpu.memory_space<hbm>>
    tpu.wait_dma2 semaphore(%arg15 : memref<!tpu.dma_semaphore, #tpu.memory_space<semaphore_mem>>) src(%dma_wait3A_74 : memref<4000xf32, #tpu.memory_space<hbm>>) dst(%arg12 : memref<4000xf32, #tpu.memory_space<vmem>>)
    %barrier3A_75 = arith.constant 0 : index
    tpu.barrier barrier_id(%barrier3A_75)
    %mul3A_76 = arith.constant 6272 : i32
    %mul3A_77 = arith.muli %arg1, %mul3A_76 : i32
    "tpu.region"() ({
      %run_scoped3A = tpu.sem_alloc : memref<!tpu.dma_semaphore, #tpu.memory_space<semaphore_mem>>
      %dma_start3A_94 = tpu.memref_slice %arg13[%mul3A_77] : memref<100352xi32, #tpu.memory_space<vmem_shared>> -> memref<4000xi32, #tpu.memory_space<vmem_shared>>
      %dma_start3A_95 = tpu.memref_slice %arg13[%mul3A_77] : memref<100352xi32, #tpu.memory_space<vmem_shared>> -> memref<4000xi32, #tpu.memory_space<vmem_shared>>
      tpu.enqueue_dma source(%dma_start3A_95 : memref<4000xi32, #tpu.memory_space<vmem_shared>>) target(%arg7 : memref<4000xi32, #tpu.memory_space<vmem>>) target_semaphore(%run_scoped3A : memref<!tpu.dma_semaphore, #tpu.memory_space<semaphore_mem>>)
      %dma_wait3A_96 = tpu.memref_slice %arg13[%mul3A_77] : memref<100352xi32, #tpu.memory_space<vmem_shared>> -> memref<4000xi32, #tpu.memory_space<vmem_shared>>
      %dma_wait3A_97 = tpu.memref_slice %arg13[%mul3A_77] : memref<100352xi32, #tpu.memory_space<vmem_shared>> -> memref<4000xi32, #tpu.memory_space<vmem_shared>>
      tpu.wait_dma2 semaphore(%run_scoped3A : memref<!tpu.dma_semaphore, #tpu.memory_space<semaphore_mem>>) src(%dma_wait3A_97 : memref<4000xi32, #tpu.memory_space<vmem_shared>>) dst(%arg7 : memref<4000xi32, #tpu.memory_space<vmem>>)
      tpu.yield
    }) : () -> ()
    %mul3A_78 = arith.constant 6272 : i32
    %mul3A_79 = arith.muli %arg1, %mul3A_78 : i32
    %add3A_80 = arith.constant 4000 : i32
    %add3A_81 = arith.addi %mul3A_79, %add3A_80 : i32
    "tpu.region"() ({
      %run_scoped3A = tpu.sem_alloc : memref<!tpu.dma_semaphore, #tpu.memory_space<semaphore_mem>>
      %dma_start3A_94 = arith.constant 0 : i32
      %dma_start3A_95 = tpu.memref_slice %arg8[%dma_start3A_94] : memref<4000xi32, #tpu.memory_space<vmem>> -> memref<2272xi32, #tpu.memory_space<vmem>>
      %dma_start3A_96 = tpu.memref_slice %arg13[%add3A_81] : memref<100352xi32, #tpu.memory_space<vmem_shared>> -> memref<2272xi32, #tpu.memory_space<vmem_shared>>
      %dma_start3A_97 = arith.constant 0 : i32
      %dma_start3A_98 = tpu.memref_slice %arg8[%dma_start3A_97] : memref<4000xi32, #tpu.memory_space<vmem>> -> memref<2272xi32, #tpu.memory_space<vmem>>
      %dma_start3A_99 = tpu.memref_slice %arg13[%add3A_81] : memref<100352xi32, #tpu.memory_space<vmem_shared>> -> memref<2272xi32, #tpu.memory_space<vmem_shared>>
      tpu.enqueue_dma source(%dma_start3A_99 : memref<2272xi32, #tpu.memory_space<vmem_shared>>) target(%dma_start3A_98 : memref<2272xi32, #tpu.memory_space<vmem>>) target_semaphore(%run_scoped3A : memref<!tpu.dma_semaphore, #tpu.memory_space<semaphore_mem>>)
      %dma_wait3A_100 = arith.constant 0 : i32
      %dma_wait3A_101 = tpu.memref_slice %arg8[%dma_wait3A_100] : memref<4000xi32, #tpu.memory_space<vmem>> -> memref<2272xi32, #tpu.memory_space<vmem>>
      %dma_wait3A_102 = tpu.memref_slice %arg13[%add3A_81] : memref<100352xi32, #tpu.memory_space<vmem_shared>> -> memref<2272xi32, #tpu.memory_space<vmem_shared>>
      %dma_wait3A_103 = arith.constant 0 : i32
      %dma_wait3A_104 = tpu.memref_slice %arg8[%dma_wait3A_103] : memref<4000xi32, #tpu.memory_space<vmem>> -> memref<2272xi32, #tpu.memory_space<vmem>>
      %dma_wait3A_105 = tpu.memref_slice %arg13[%add3A_81] : memref<100352xi32, #tpu.memory_space<vmem_shared>> -> memref<2272xi32, #tpu.memory_space<vmem_shared>>
      tpu.wait_dma2 semaphore(%run_scoped3A : memref<!tpu.dma_semaphore, #tpu.memory_space<semaphore_mem>>) src(%dma_wait3A_105 : memref<2272xi32, #tpu.memory_space<vmem_shared>>) dst(%dma_wait3A_104 : memref<2272xi32, #tpu.memory_space<vmem>>)
      tpu.yield
    }) : () -> ()
    %mul3A_82 = arith.constant 100352 : i32
    %mul3A_83 = arith.muli %arg0, %mul3A_82 : i32
    %mul3A_84 = arith.constant 6272 : i32
    %mul3A_85 = arith.muli %arg1, %mul3A_84 : i32
    %add3A_86 = arith.addi %mul3A_83, %mul3A_85 : i32
    "tpu.region"() ({
      %run_scoped3A = tpu.sem_alloc : memref<!tpu.dma_semaphore, #tpu.memory_space<semaphore_mem>>
      %dma_start3A_94 = tpu.memref_slice %arg5[%add3A_86] : memref<200704xi32, #tpu.memory_space<hbm>> -> memref<4000xi32, #tpu.memory_space<hbm>>
      %dma_start3A_95 = tpu.memref_slice %arg5[%add3A_86] : memref<200704xi32, #tpu.memory_space<hbm>> -> memref<4000xi32, #tpu.memory_space<hbm>>
      tpu.enqueue_dma source(%arg7 : memref<4000xi32, #tpu.memory_space<vmem>>) target(%dma_start3A_95 : memref<4000xi32, #tpu.memory_space<hbm>>) target_semaphore(%run_scoped3A : memref<!tpu.dma_semaphore, #tpu.memory_space<semaphore_mem>>)
      %dma_wait3A_96 = tpu.memref_slice %arg5[%add3A_86] : memref<200704xi32, #tpu.memory_space<hbm>> -> memref<4000xi32, #tpu.memory_space<hbm>>
      %dma_wait3A_97 = tpu.memref_slice %arg5[%add3A_86] : memref<200704xi32, #tpu.memory_space<hbm>> -> memref<4000xi32, #tpu.memory_space<hbm>>
      tpu.wait_dma2 semaphore(%run_scoped3A : memref<!tpu.dma_semaphore, #tpu.memory_space<semaphore_mem>>) src(%arg7 : memref<4000xi32, #tpu.memory_space<vmem>>) dst(%dma_wait3A_97 : memref<4000xi32, #tpu.memory_space<hbm>>)
      tpu.yield
    }) : () -> ()
    %mul3A_87 = arith.constant 100352 : i32
    %mul3A_88 = arith.muli %arg0, %mul3A_87 : i32
    %mul3A_89 = arith.constant 6272 : i32
    %mul3A_90 = arith.muli %arg1, %mul3A_89 : i32
    %add3A_91 = arith.addi %mul3A_88, %mul3A_90 : i32
    %add3A_92 = arith.constant 4000 : i32
    %add3A_93 = arith.addi %add3A_91, %add3A_92 : i32
    "tpu.region"() ({
      %run_scoped3A = tpu.sem_alloc : memref<!tpu.dma_semaphore, #tpu.memory_space<semaphore_mem>>
      %dma_start3A_94 = arith.constant 0 : i32
      %dma_start3A_95 = tpu.memref_slice %arg8[%dma_start3A_94] : memref<4000xi32, #tpu.memory_space<vmem>> -> memref<2272xi32, #tpu.memory_space<vmem>>
      %dma_start3A_96 = tpu.memref_slice %arg5[%add3A_93] : memref<200704xi32, #tpu.memory_space<hbm>> -> memref<2272xi32, #tpu.memory_space<hbm>>
      %dma_start3A_97 = tpu.memref_slice %arg5[%add3A_93] : memref<200704xi32, #tpu.memory_space<hbm>> -> memref<2272xi32, #tpu.memory_space<hbm>>
      %dma_start3A_98 = arith.constant 0 : i32
      %dma_start3A_99 = tpu.memref_slice %arg8[%dma_start3A_98] : memref<4000xi32, #tpu.memory_space<vmem>> -> memref<2272xi32, #tpu.memory_space<vmem>>
      tpu.enqueue_dma source(%dma_start3A_99 : memref<2272xi32, #tpu.memory_space<vmem>>) target(%dma_start3A_97 : memref<2272xi32, #tpu.memory_space<hbm>>) target_semaphore(%run_scoped3A : memref<!tpu.dma_semaphore, #tpu.memory_space<semaphore_mem>>)
      %dma_wait3A_100 = arith.constant 0 : i32
      %dma_wait3A_101 = tpu.memref_slice %arg8[%dma_wait3A_100] : memref<4000xi32, #tpu.memory_space<vmem>> -> memref<2272xi32, #tpu.memory_space<vmem>>
      %dma_wait3A_102 = tpu.memref_slice %arg5[%add3A_93] : memref<200704xi32, #tpu.memory_space<hbm>> -> memref<2272xi32, #tpu.memory_space<hbm>>
      %dma_wait3A_103 = tpu.memref_slice %arg5[%add3A_93] : memref<200704xi32, #tpu.memory_space<hbm>> -> memref<2272xi32, #tpu.memory_space<hbm>>
      %dma_wait3A_104 = arith.constant 0 : i32
      %dma_wait3A_105 = tpu.memref_slice %arg8[%dma_wait3A_104] : memref<4000xi32, #tpu.memory_space<vmem>> -> memref<2272xi32, #tpu.memory_space<vmem>>
      tpu.wait_dma2 semaphore(%run_scoped3A : memref<!tpu.dma_semaphore, #tpu.memory_space<semaphore_mem>>) src(%dma_wait3A_105 : memref<2272xi32, #tpu.memory_space<vmem>>) dst(%dma_wait3A_103 : memref<2272xi32, #tpu.memory_space<hbm>>)
      tpu.yield
    }) : () -> ()
    return
  }
}

module attributes {stable_mosaic.version = 14 : i64} {
  func.func @_tc_body(%arg0: memref<1568x128xi32, #tpu.memory_space<vmem>>, %arg1: memref<784x128xi32, #tpu.memory_space<vmem>>, %arg2: memref<1x1xf32, #tpu.memory_space<vmem>>, %arg3: memref<1x1xf32, #tpu.memory_space<vmem>>) attributes {dimension_semantics = [], scalar_prefetch = 0 : i64, scratch_operands = 0 : i64, tpu.core_type = #tpu.core_type<tc>} {
    %get3A = arith.constant 0 : index
    %get3A_0 = arith.constant 0 : index
    %get3A_1 = vector.load %arg0[%get3A, %get3A_0] : memref<1568x128xi32, #tpu.memory_space<vmem>>, vector<784x128xi32>
    %get3A_2 = arith.constant 784 : index
    %get3A_3 = arith.constant 0 : index
    %get3A_4 = vector.load %arg0[%get3A_2, %get3A_3] : memref<1568x128xi32, #tpu.memory_space<vmem>>, vector<784x128xi32>
    %add3A = arith.addi %get3A_1, %get3A_4 : vector<784x128xi32>
    %get3A_5 = arith.constant 0 : index
    %get3A_6 = arith.constant 0 : index
    %get3A_7 = vector.load %arg1[%get3A_5, %get3A_6] : memref<784x128xi32, #tpu.memory_space<vmem>>, vector<784x128xi32>
    %eq3A = arith.constant 0 : i32
    %eq3A_8 = vector.broadcast %eq3A : i32 to vector<784x128xi32>
    %eq3A_9 = arith.cmpi eq, %get3A_7, %eq3A_8 : vector<784x128xi32>
    %gt3A = arith.constant 0 : i32
    %gt3A_10 = vector.broadcast %gt3A : i32 to vector<784x128xi32>
    %gt3A_11 = arith.cmpi sgt, %add3A, %gt3A_10 : vector<784x128xi32>
    %and3A = arith.andi %gt3A_11, %eq3A_9 : vector<784x128xi1>
    %convert_element_type3A = arith.extui %and3A : vector<784x128xi1> to vector<784x128xi32>
    %reduce_sum3A = vector.shape_cast %convert_element_type3A : vector<784x128xi32> to vector<1x784x128xi32>
    %reduce_sum3A_12 = arith.constant dense<0> : vector<1xi32>
    %reduce_sum3A_13 = vector.multi_reduction <add>, %reduce_sum3A, %reduce_sum3A_12 [1, 2] : vector<1x784x128xi32> to vector<1xi32>
    %reduce_sum3A_14 = vector.shape_cast %reduce_sum3A_13 : vector<1xi32> to vector<1x1x1xi32>
    %reduce_sum3A_15 = vector.extract %reduce_sum3A_14[0, 0, 0] : i32 from vector<1x1x1xi32>
    %convert_element_type3A_16 = arith.extui %eq3A_9 : vector<784x128xi1> to vector<784x128xi32>
    %reduce_sum3A_17 = vector.shape_cast %convert_element_type3A_16 : vector<784x128xi32> to vector<1x784x128xi32>
    %reduce_sum3A_18 = arith.constant dense<0> : vector<1xi32>
    %reduce_sum3A_19 = vector.multi_reduction <add>, %reduce_sum3A_17, %reduce_sum3A_18 [1, 2] : vector<1x784x128xi32> to vector<1xi32>
    %reduce_sum3A_20 = vector.shape_cast %reduce_sum3A_19 : vector<1xi32> to vector<1x1x1xi32>
    %reduce_sum3A_21 = vector.extract %reduce_sum3A_20[0, 0, 0] : i32 from vector<1x1x1xi32>
    %eq3A_22 = arith.cmpi eq, %reduce_sum3A_15, %reduce_sum3A_21 : i32
    %jit3A = arith.constant 1.000000e+00 : f32
    %jit3A_23 = arith.constant 0.000000e+00 : f32
    %select_n3A = arith.select %eq3A_22, %jit3A, %jit3A_23 : f32
    %reshape3A = vector.broadcast %select_n3A : f32 to vector<1x1xf32>
    %swap3A = arith.constant 0 : index
    %swap3A_24 = arith.constant 0 : index
    %swap3A_25 = vector.load %arg2[%swap3A, %swap3A_24] : memref<1x1xf32, #tpu.memory_space<vmem>>, vector<1x1xf32>
    tpu.vector_store %arg2[%swap3A, %swap3A_24], %reshape3A {strides = array<i32>} : memref<1x1xf32, #tpu.memory_space<vmem>>, vector<1x1xf32>,
    %sub3A = arith.subi %reduce_sum3A_21, %reduce_sum3A_15 : i32
    %convert_element_type3A_26 = arith.sitofp %sub3A : i32 to f32
    %reshape3A_27 = vector.broadcast %convert_element_type3A_26 : f32 to vector<1x1xf32>
    %swap3A_28 = arith.constant 0 : index
    %swap3A_29 = arith.constant 0 : index
    %swap3A_30 = vector.load %arg3[%swap3A_28, %swap3A_29] : memref<1x1xf32, #tpu.memory_space<vmem>>, vector<1x1xf32>
    tpu.vector_store %arg3[%swap3A_28, %swap3A_29], %reshape3A_27 {strides = array<i32>} : memref<1x1xf32, #tpu.memory_space<vmem>>, vector<1x1xf32>,
    return
  }
}

</mosaic_0001>

<sc_bundles>
// kernel: kernel.4.cloned.1.call-start
scs
__scs_entry_jumppad:
0x0: {  	(pc) =	sbr.rel $0x88, $3  }
0x1: {  	(tag) =	ssettag $0x0;
	lr =	simm.s32 $0x1  }
0x2: {  	[smem:$0x3F9D] =	sst lr;
	_ =	strace $0xD0000000  }
0x3: {  	_ = 	snop  }
0x4: {  	_ = 	snop  }
0x5: {  	_ = 	snop  }
0x6: {  	_ = 	snop  }
0x7: {  	_ = 	snop  }
__scs_overlays_trampoline_lowered:
0x8: {  	[smem:$0x3FAC] =	sst s0  }
0x9: {  	[smem:$0x3FAD] =	sst s1  }
0xa: {  	[smem:$0x3FAE] =	sst s2  }
0xb: {  	[smem:$0x3FAF] =	sst s3  }
0xc: {  	[smem:$0x3FB0] =	sst s4  }
0xd: {  	[smem:$0x3FB1] =	sst s5  }
0xe: {  	[smem:$0x3FB2] =	sst s6  }
0xf: {  	[smem:$0x3FB3] =	sst s7  }
0x10: {  	[smem:$0x3FB4] =	sst s8  }
0x11: {  	[smem:$0x3FB5] =	sst s9;
	s0 =	simm.s32 @!p0 $0x0  }
0x12: {  	s1 =	sld [smem:$0x3F9B];
	s0 =	simm.s32 @p0 $0x1  }
0x13: {  	[smem:$0x3FB6] =	sst s0;
	s0 =	simm.s32 @!p1 $0x0  }
0x14: {  	s2 =	sld [smem:$0x3F9A];
	s0 =	simm.s32 @p1 $0x1  }
0x15: {  	[smem:$0x3FB7] =	sst s0;
	s0 =	simm.s32 @!p2 $0x0  }
0x16: {  	s3 =	sld [smem:$0x3FDB];
	s0 =	simm.s32 @p2 $0x1  }
0x17: {  	s4 =	simm.s32 $0x1BF5;
	[smem:$0x3FB9] =	sst s0  }
0x18: {  	s0 =	sld [smem:$0x3F9C];
	_ =	swait.ge [sflag:s4], $0x0  }
0x19: {  	s7 =	sld [smem:$0x3F9D]  }
0x1a: {  	s8 =	sadd.s32 $0xFFFFE003, lr  }
0x1b: {  	s9 =	sadd.s32 $0xFFFFFEF7, lr;
	s5 =	simm.s32 $0xFFFFFFFF;
	p2 =	slt.u32 s8, $0xFFFFF086  }
0x1c: {  	p1 =	slt.u32 s9, $0xF7A;
	s5 =	simm.s32 @!p2 $0x0  }
0x1d: {  	s5 =	simm.s32 @p1 $0x1;
	p0 =	seq.s32 s7, s2  }
0x1e: {  	s7 =	smul.u32 @!p0 $0xF7A, s2;
	p2 =	seq.s32 @!p0 s5, $0x0  }
0x1f: {  	s9 =	smul.u32 $0xF7A, s1;
	s8 =	simm.s32 @!p0 $0x1BF5;
	p2 =	por !p2, p0  }
0x20: {  	[sflag:s8] =	ssyncset.s32 @!p0 $0xFFFFF086;
	s6 =	sadd.s32 @!p0 s3, s7;
	s7 =	simm.s32 @!p0 $0x108  }
0x21: {  	s3 =	sadd.s32 s3, s9;
	s6 =	sadd.s32 @!p0 $0x88, s6;
	s7 =	simm.s32 @p2 $0x1082  }
0x22: {  	[simem:s7], [sflag:s8] =	dma.local @!p0 [hbm:s6], $0xF7A  }
0x23: {  	s9 =	sor.u32 $0xD0000000, s2;
	s6 =	simm.s32 $0x108;
	_ =	swait.ge @!p0 [sflag:s8], $0x0  }
0x24: {  	s3 =	sadd.s32 $0x88, s3;
	s6 =	simm.s32 @!p1 $0x1082;
	[sflag:s4] =	ssyncset.s32 $0xFFFFF086  }
0x25: {  	[simem:s6], [sflag:s4] =	dma.local [hbm:s3], $0xF7A  }
0x26: {  	[smem:$0x3F9D] =	sst s1;
	(tag) =	ssettag s2;
	_ =	strace s9  }
0x27: {  	s1 =	sld [smem:$0x3FAD]  }
0x28: {  	s2 =	sld [smem:$0x3FAE]  }
0x29: {  	s4 =	sld [smem:$0x3FB0]  }
0x2a: {  	p0 =	seq.s32 s5, $0x0;
	s5 =	sld [smem:$0x3FB1]  }
0x2b: {  	s6 =	sld [smem:$0x3FB2]  }
0x2c: {  	s7 =	sld [smem:$0x3FB3]  }
0x2d: {  	s3 =	simm.s32 $0x108;
	s8 =	sld [smem:$0x3FB4]  }
0x2e: {  	s3 =	simm.s32 @!p0 $0x1082;
	s9 =	sld [smem:$0x3FB5]  }
0x2f: {  	lr =	sadd.s32 s0, s3;
	s0 =	sld [smem:$0x3FAC]  }
0x30: {  	s3 =	sld [smem:$0x3FAF]  }
0x31: {  	[smem:$0x3FB8] =	sst s10  }
0x32: {  	s10 =	sld [smem:$0x3FB6];
	_ =	sdelay $0x3  }
0x33: {  	p0 =	seq.s32 s10, $0x1;
	s10 =	sld [smem:$0x3FB8];
	_ =	sdelay $0x3  }
0x34: {  	[smem:$0x3FB8] =	sst s10  }
0x35: {  	s10 =	sld [smem:$0x3FB7];
	_ =	sdelay $0x3  }
0x36: {  	p1 =	seq.s32 s10, $0x1;
	s10 =	sld [smem:$0x3FB8];
	_ =	sdelay $0x3  }
0x37: {  	[smem:$0x3FB8] =	sst s10  }
0x38: {  	s10 =	sld [smem:$0x3FB9]  }
0x39: {  	_ = 	snop;
	(pc) =	sbr.ind lr, $3  }
0x3a: {  	_ = 	snop  }
0x3b: {  	_ = 	snop  }
0x3c: {  	p2 =	seq.s32 s10, $0x1;
	s10 =	sld [smem:$0x3FB8]  }
0x3d: {  	_ =	shalt  }
0x3e: {  	_ =	shalt  }
0x3f: {  	_ =	shalt  }
0x40: {  	_ =	shalt  }
0x41: {  	_ =	shalt  }
0x42: {  	_ =	shalt  }
0x43: {  	_ =	shalt  }
0x44: {  	_ =	shalt  }
0x45: {  	_ =	shalt  }
0x46: {  	_ =	shalt  }
0x47: {  	_ =	shalt  }
0x48: {  	_ =	shalt  }
0x49: {  	_ =	shalt  }
0x4a: {  	_ =	shalt  }
0x4b: {  	_ =	shalt  }
0x4c: {  	_ =	shalt  }
0x4d: {  	_ =	shalt  }
0x4e: {  	_ =	shalt  }
0x4f: {  	_ =	shalt  }
0x50: {  	_ =	shalt  }
0x51: {  	_ =	shalt  }
0x52: {  	_ =	shalt  }
0x53: {  	_ =	shalt  }
0x54: {  	_ =	shalt  }
0x55: {  	_ =	shalt  }
0x56: {  	_ =	shalt  }
0x57: {  	_ =	shalt  }
0x58: {  	_ =	shalt  }
0x59: {  	_ =	shalt  }
0x5a: {  	_ =	shalt  }
0x5b: {  	_ =	shalt  }
0x5c: {  	_ =	shalt  }
0x5d: {  	_ =	shalt  }
0x5e: {  	_ =	shalt  }
0x5f: {  	_ =	shalt  }
0x60: {  	_ =	shalt  }
0x61: {  	_ =	shalt  }
0x62: {  	_ =	shalt  }
0x63: {  	_ =	shalt  }
0x64: {  	_ =	shalt  }
0x65: {  	_ =	shalt  }
0x66: {  	_ =	shalt  }
0x67: {  	_ =	shalt  }
0x68: {  	_ =	shalt  }
0x69: {  	_ =	shalt  }
0x6a: {  	_ =	shalt  }
0x6b: {  	_ =	shalt  }
0x6c: {  	_ =	shalt  }
0x6d: {  	_ =	shalt  }
0x6e: {  	_ =	shalt  }
0x6f: {  	_ =	shalt  }
0x70: {  	_ =	shalt  }
0x71: {  	_ =	shalt  }
0x72: {  	_ =	shalt  }
0x73: {  	_ =	shalt  }
0x74: {  	_ =	shalt  }
0x75: {  	_ =	shalt  }
0x76: {  	_ =	shalt  }
0x77: {  	_ =	shalt  }
0x78: {  	_ =	shalt  }
0x79: {  	_ =	shalt  }
0x7a: {  	_ =	shalt  }
0x7b: {  	_ =	shalt  }
0x7c: {  	_ =	shalt  }
0x7d: {  	_ =	shalt  }
0x7e: {  	_ =	shalt  }
0x7f: {  	_ =	shalt  }
0x80: {  	_ =	shalt  }
0x81: {  	_ =	shalt  }
0x82: {  	_ =	shalt  }
0x83: {  	_ =	shalt  }
0x84: {  	_ =	shalt  }
0x85: {  	_ =	shalt  }
0x86: {  	_ =	shalt  }
0x87: {  	_ =	shalt  }
.Lfunc_end0:
.L_simem_size_0:
called_computation_lowered:
.L_overlay_start_0:
0x88: {  	s2 =	sld [smem:$0x3FD9]  }
0x89: {  	s3 =	sld [smem:$0x3FFE];
	_ =	sdelay $0x1  }
0x8a: {  	s1 =	srdreg.scid  }
0x8b: {  	s0 =	sand.u32 $0x1, s1  }
0x8c: {  	s17 =	sshll.u32 s0, $0xA;
	s2 =	sadd.s32 s3, s2  }
0x8d: {  	s2 =	sadd.s32 s2, s17  }
0x8e: {  	[smem:$0x3FC4] =	sst s2  }
0x8f: {  	_ = 	snop  }
0x90: {  	s2 =	sld [smem:$0x3FC6];
	(tm) =	ssettm $0x1  }
0x91: {  	s18 =	sld [smem:$0x3FFB];
	_ =	sdelay $0x3  }
0x92: {  	_ =	strace s18  }
0x93: {  	s3 =	sld [smem:$0x3FFC];
	_ =	sdelay $0x3  }
0x94: {  	_ =	strace s3  }
0x95: {  	s3 =	sld [smem:$0x3FFD];
	_ =	sdelay $0x3  }
0x96: {  	_ =	strace s3  }
0x97: {  	_ =	strace $0x8FFFFFFF  }
0x98: {  	s19 =	sld [smem:$0x3FDB];
	_ =	sdelay $0x1  }
0x99: {  	s4 =	simm.s32 $_scs_section_size  }
0x9a: {  	s5 =	simm.s32 $_size__tile_overlayer_lowered;
	s6 =	simm.s32 $_tile_overlayer_lowered  }
0x9b: {  	s22 =	simm.s32 $0x1BFF;
	s21 =	sshll.u32 s6, $0x1;
	s3 =	sadd.s32 s4, s19  }
0x9c: {  	s7 =	simm.s32 $0x0;
	s20 =	sshll.u32 s5, $0x1;
	s5 =	sadd.s32 s21, s3  }
0x9d: {  	[timem:s7], [sflag:s22] =	dma.local [hbm:s5], s20  }
0x9e: {  	_ =	swait.ge [sflag:s22], s20  }
0x9f: {  	s4 =	ssub.s32 $0x0, s20;
	[sflag:s22] =	ssyncset.done $0x0  }
0xa0: {  	[sflag:s22] =	ssyncadd.s32 s4;
	_ =	sdelay $0x1  }
0xa1: {  	s23 =	simm.s32 $0x1B8B  }
0xa2: {  	_ =	swait.ge [sflag:s23], $0x1  }
0xa3: {  	[sflag:s23] =	ssyncset.done $0x0  }
0xa4: {  	s25 =	simm.s32 $0x1B8E;
	s24 =	sld [smem:$0x3FFE];
	[sflag:s23] =	ssyncadd.s32 $0xFFFFFFFF  }
0xa5: {  	s26 =	simm.s32 $execute0_lowered;
	[smem:$0x3FD2] =	sst s25  }
0xa6: {  	s5 =	sshll.u32 s26, $0x1;
	_ =	strace $0x80000046;
	[dreg:$0x1] =	wrdreg $0xFFFFFFFF  }
0xa7: {  	s28 =	simm.s32 $_size_execute0_lowered;
	s3 =	sadd.s32 s3, s5;
	[dreg:$0x0] =	wrdreg $0x0  }
0xa8: {  	s5 =	sshll.u32 s28, $0x1;
	[dreg:$0x2] =	wrdreg s3  }
0xa9: {  	[dreg:$0x3] =	wrdreg s5  }
0xaa: {  	[dreg:$0x4] =	wrdreg $0xC0  }
0xab: {  	_ =	task [dreg:s7], $0x5FFFF  }
0xac: {  	[dreg:$0x1] =	wrdreg $0xFFFFFFFF  }
0xad: {  	[dreg:$0x0] =	wrdreg $0x60  }
0xae: {  	[dreg:$0x2] =	wrdreg s24  }
0xaf: {  	[dreg:$0x3] =	wrdreg s2  }
0xb0: {  	[dreg:$0x4] =	wrdreg $0x1E7000  }
0xb1: {  	[dreg:$0x5] =	wrdreg $0x9  }
0xb2: {  	_ =	task.clear_ibuf [dreg:s7], $0x6FFFF;
	_ =	strace $0x90000046  }
0xb3: {  	s29 =	simm.s32 $0x9;
	_ =	strace $0x80000048  }
0xb4: {  	_ =	swait.ge [sflag:s29], $0x1  }
0xb5: {  	[sflag:s29] =	ssyncadd.s32 $0xFFFFFFFF  }
0xb6: {  	_ =	strace $0x90000048  }
0xb7: {  	_ =	sfence  }
0xb8: {  	s30 =	sld [smem:$0x0];
	_ =	sdelay $0x2  }
0xb9: {  	s31 =	sshll.u32 s1, $0xD;
	s1 =	sshrl.u32 s1, $0x2  }
0xba: {  	s3 =	sand.u32 $0x4000, s31;
	s1 =	sadd.s32 s1, s30  }
0xbb: {  	s0 =	sor.u32 s3, s0;
	s1 =	sshll.u32 s1, $0x11  }
0xbc: {  	s0 =	sor.u32 s1, s0  }
0xbd: {  	s0 =	sadd.s32 $0x8F2B, s0  }
0xbe: {  	[sflag:s0] =	ssyncadd.remote.s32 $0x1  }
0xbf: {  	_ =	sfence.sel $0xFFFF  }
0xc0: {  	[dreg:$0x0] =	wrdreg $0xFFFFFFFF;
	(pc) =	sbr.abs _section_cstart, $3  }
0xc1: {  	[dreg:$0x1] =	wrdreg $0xFFFFFFFF  }
0xc2: {  	_ =	task.clear_ibuf [dreg:s7], $0x2FFFF;
	_ =	strace $0x9FFFFFFF  }
0xc3: {  	(tm) =	ssettm $0x7FFFFFFF  }
tec
execute0_lowered:
.L_overlay_start_1:
0x0: {  	(tag) =	ssettag $0x1  }
0x1: {  	s0 =	rddreg [dreg:$0x0]  }
0x2: {  	s2 =	rddreg [dreg:$0x1]  }
0x3: {  	s3 =	rddreg [dreg:$0x2];
	s1 =	srdreg.scid  }
0x4: {  	s8 =	stileid.u32;
	s4 =	simm.s32 $0x0;
	s28 =	simm.s32 $0x1B700  }
0x5: {  	s29 =	simm.s32 $0x1D700;
	s30 =	simm.s32 $0xFA0;
	s31 =	simm.s32 $0x2  }
0x6: {  	s1 =	sand.u32 $0x1, s1;
	s6 =	smul.u32 $0x1880, s8;
	[smem:$0x7FF] =	sst s4  }
0x7: {  	s9 =	sadd.s32 $0xC3C00, s0;
	s5 =	sshll.u32 s1, $0x4;
	s7 =	smul.u32 $0x18800, s1  }
0x8: {  	_ =	strace $0x80000047;
	[dreg:$0x4] =	wrdreg s9;
	s1 =	ssub.s32 $0x2, s1  }
0x9: {  	s8 =	sor.u32 s8, s5;
	s5 =	sadd.s32 $0x600, s0;
	s20 =	sshrl.u32 s1, $0x1  }
0xa: {  	s9 =	sadd.s32 s6, s3;
	s8 =	smul.u32 $0x186A0, s8;
	s1 =	ssub.s32 s1, s20  }
0xb: {  	s7 =	sadd.s32 s6, s7;
	s11 =	sadd.s32 $0xFA0, s9;
	s26 =	smax.u32 s1, $0x1  }
0xc: {  	s7 =	sshrl.u32 s7, $0x3;
	s10 =	sshrl.u32 s8, $0x3;
	[dreg:$0xd] =	wrdreg s26  }
0xd: {  	s21 =	sadd.s32 s5, s10;
	s23 =	sadd.s32 $0x1F4, s10;
	s10 =	sadd.s32 s2, s10  }
0xe: {  	s20 =	simm.s32 $0x18700;
	s0 =	sadd.s32 s7, s0;
	[dreg:$0x7] =	wrdreg s10  }
0xf: {  	s1 =	simm.s32 $0x4;
	s25 =	sadd.s32 $0xC6E00, s0;
	[dreg:$0x5] =	wrdreg s21  }
0x10: {  	s15 =	sadd.s32 $0x1F40, s8;
	s0 =	sadd.s32 $0xC6FF4, s0;
	[dreg:$0xb] =	wrdreg s25  }
0x11: {  	s16 =	sadd.s32 $0x2EE0, s8;
	s22 =	sadd.s32 $0x61A80, s21;
	[dreg:$0xc] =	wrdreg s0  }
0x12: {  	s26 =	simm.s32 $0x1;
	s24 =	sadd.s32 s5, s23;
	[dreg:$0x6] =	wrdreg s22  }
0x13: {  	s7 =	sadd.s32 $0x61C74, s21;
	s6 =	sadd.s32 s2, s23;
	[dreg:$0x8] =	wrdreg s24  }
0x14: {  	s21 =	simm.s32 $0x1A700;
	s23 =	simm.s32 $0x19700;
	[dreg:$0x9] =	wrdreg s7  }
0x15: {  	s25 =	simm.s32 $0x5;
	s0 =	simm.s32 $0x3;
	[dreg:$0xa] =	wrdreg s6  }
0x16: {  	v0 =	vimm.s32 $0x0;
	s22 =	simm.s32 $0x1C700;
	s24 =	simm.s32 $0x6;
	s6 =	simm.s32 $0x0  }
.LBB2_1:
0x17: {  	s7 =	rddreg [dreg:$0x5]  }
0x18: {  	[tilespmem:s20], [sflag:$0x1] =	stream.linear.gather [hbm4b:s7+s4], $0xFA0, $0x38;
	[tilespmem:$0x1FF80] =	vst v63  }
0x19: {  	s17 =	rddreg [dreg:$0x6]  }
0x1a: {  	[tilespmem:s21], [sflag:$0x1] =	stream.linear.gather [hbm4b:s17+s4], $0xFA0, $0x38;
	[tilespmem:$0x1FF80] =	vst v63  }
0x1b: {  	s18 =	rddreg [dreg:$0x7]  }
0x1c: {  	[tilespmem:s22], [sflag:$0x1] =	stream.linear.gather [hbm4b:s18+s4], $0xFA0, $0x38;
	[tilespmem:$0x1FF80] =	vst v63  }
0x1d: {  	s19 =	rddreg [dreg:$0x4];
	s8 =	simm.s32 $0x0;
	s7 =	simm.s32 $0x40  }
0x1e: {  	[tilespmem:s4], [sflag:$0x5] =	stream.linear.gather [hbm4b:s19+s4], $0x18700, $0x38;
	[tilespmem:$0x1FF80] =	vst v63  }
.LBB2_2:
0x1f: {  	p0 =	sne.s32 s7, $0x3E40;
	[tilespmem:s8+$0x19700] =	vst v0;
	s8 =	smov.u32 s7;
	s7 =	sadd.s32 $0x40, s7  }
.Ltmp0:
0x20: {  	(pc) =	sbr.rel @p0 .LBB2_2-.Ltmp0, $2  }
0x21: {  	_ =	sdelay $0x2  }
0x22: {  	s8 =	sshra.s32 s8, $0x2  }
0x23: {  	[tilespmem:s8+$0x19700] =	vst v0  }
0x24: {  	[spmem:s9] =	stream.linear.scatter [tilespmem:s23], [sflag:$0x6], $0xFA0, $0x38;
	[tilespmem:$0x1FF80] =	vst v63  }
0x25: {  	_ =	swait.ge [sflag:s24], $0xFA0  }
0x26: {  	[sflag:s24] =	ssyncset.done $0x0  }
0x27: {  	[sflag:s24] =	ssyncadd.s32 $0xFFFFF060  }
0x28: {  	[spmem:s11] =	stream.linear.scatter [tilespmem:s23], [sflag:$0x6], $0x8E0, $0x38;
	[tilespmem:$0x1FF80] =	vst v63  }
0x29: {  	_ =	swait.ge [sflag:s24], $0x8E0  }
0x2a: {  	[sflag:s24] =	ssyncset.done $0x0  }
0x2b: {  	[sflag:s24] =	ssyncadd.s32 $0xFFFFF720  }
0x2c: {  	[bflag:$0x0] =	sbarrier.arrive $0xFFFF  }
0x2d: {  	_ =	swait.ge [sflag:s25], $0x18700  }
0x2e: {  	[sflag:s25] =	ssyncset.done $0x0  }
0x2f: {  	[sflag:s25] =	ssyncadd.s32 $0xFFFE7900  }
0x30: {  	_ =	swait.ge [sflag:s26], $0xFA0  }
0x31: {  	[sflag:s26] =	ssyncset.done $0x0  }
0x32: {  	[sflag:s26] =	ssyncadd.s32 $0xFFFFF060  }
0x33: {  	_ =	swait.ge [sflag:s26], $0xFA0  }
0x34: {  	[sflag:s26] =	ssyncset.done $0x0  }
0x35: {  	[sflag:s26] =	ssyncadd.s32 $0xFFFFF060  }
0x36: {  	_ =	swait.ge [sflag:s26], $0xFA0  }
0x37: {  	[sflag:s26] =	ssyncset.done $0x0  }
0x38: {  	s10 =	simm.s32 $0x18720;
	[sflag:s26] =	ssyncadd.s32 $0xFFFFF060  }
0x39: {  	v1 =	vld [tilespmem:s10+$0x10]  }
0x3a: {  	v4 =	vld [tilespmem:s10+$0xFFFFFFF0]  }
0x3b: {  	v6 =	vld [tilespmem:s10+$0x0]  }
0x3c: {  	s7 =	simm.s32 $0x1C720;
	v7 =	vld [tilespmem:s10+$0xFFFFFFE0]  }
0x3d: {  	v8 =	vld [tilespmem:s7+$0x10]  }
0x3e: {  	v14 =	vld [tilespmem:s7+$0xFFFFFFE0]  }
0x3f: {  	v15 =	vld [tilespmem:s7+$0xFFFFFFF0]  }
0x40: {  	s12 =	simm.s32 $0x18760;
	v3 =	vld [tilespmem:s7+$0x0]  }
0x41: {  	s8 =	simm.s32 $0x0;
	v10 =	vld [tilespmem:s12+$0x10]  }
0x42: {  	v9 =	vld.idx.msk [tilespmem:v1+s8+$0x0], $0xffff  }
0x43: {  	v2 =	vld [tilespmem:s12+$0xFFFFFFF0]  }
0x44: {  	s13 =	simm.s32 $0x1C760;
	v5 =	vld [tilespmem:s12+$0xFFFFFFE0]  }
0x45: {  	v12 =	vld [tilespmem:s13+$0xFFFFFFE0];
	v11 =	vsub.f32 $1.000000000e+00, v8  }
0x46: {  	v16 =	vld.idx.msk [tilespmem:v7+s8+$0x0], $0xffff  }
0x47: {  	v17 =	vld.idx.msk [tilespmem:v4+s8+$0x0], $0xffff;
	v8 =	vmul.f32 v8, v9;
	v9 =	vmul.f32 $5.000000000e-01, v11  }
0x48: {  	v7 =	vld.idx.msk [tilespmem:v6+s8+$0x0], $0xffff  }
0x49: {  	v4 =	vsub.f32 $1.000000000e+00, v14;
	v6 =	vld [tilespmem:s13+$0x10];
	v8 =	vadd.f32 v9, v8  }
0x4a: {  	v1 =	vld [tilespmem:s12+$0x0];
	v9 =	vsub.f32 $1.000000000e+00, v15  }
0x4b: {  	v18 =	vsub.f32 $1.000000000e+00, v3;
	v13 =	vld.idx.msk [tilespmem:v10+s8+$0x0], $0xffff;
	v10 =	vmul.f32 $5.000000000e-01, v4;
	vm0 =	vgt.f32 v8, $5.000000000e-01  }
0x4c: {  	v14 =	vmul.f32 v14, v16;
	v11 =	vmul.f32 $5.000000000e-01, v9;
	v8 =	vld [tilespmem:s13+$0xFFFFFFF0];
	v9 =	vsel vm0, $0x1, v0  }
0x4d: {  	s14 =	simm.s32 $0x4;
	s17 =	simm.s32 $0x187A0;
	v4 =	vmul.f32 $5.000000000e-01, v18;
	v15 =	vmul.f32 v15, v17;
	[tilespmem:s10+$0x10] =	vst v9;
	v9 =	vld [tilespmem:s13+$0x0]  }
.LBB2_4:
0x4e: {  	v16 =	vld [tilespmem:s17+$0x10];
	s14 =	sadd.s32 $0x4, s14;
	v18 =	vsub.f32 $1.000000000e+00, v6;
	v10 =	vadd.f32 v10, v14;
	v3 =	vmul.f32 v3, v7  }
0x4f: {  	v14 =	vld [tilespmem:s17+$0xFFFFFFF0];
	p0 =	slt.u32 s14, $0xF4;
	v7 =	vadd.f32 v11, v15  }
0x50: {  	v6 =	vmul.f32 v6, v13;
	v15 =	vld [tilespmem:s17+$0x0];
	v11 =	vsub.f32 $1.000000000e+00, v12;
	v13 =	vmul.f32 $5.000000000e-01, v18;
	v17 =	vmovc v12  }
0x51: {  	vm0 =	vgt.f32 v10, $5.000000000e-01;
	v4 =	vadd.f32 v4, v3;
	v12 =	vld [tilespmem:s17+$0xFFFFFFE0];
	v18 =	vsub.f32 $1.000000000e+00, v8;
	v19 =	vmovc v8  }
0x52: {  	v20 =	vld.idx.msk [tilespmem:v5+s8+$0x0], $0xffff;
	v10 =	vmul.f32 $5.000000000e-01, v11;
	v5 =	vsub.f32 $1.000000000e+00, v9;
	v6 =	vadd.f32 v13, v6;
	v3 =	vmovc v9  }
0x53: {  	vm1 =	vgt.f32 v7, $5.000000000e-01;
	vm2 =	vgt.f32 v4, $5.000000000e-01;
	v21 =	vld.idx.msk [tilespmem:v2+s8+$0x0], $0xffff;
	v11 =	vmul.f32 $5.000000000e-01, v18  }
0x54: {  	s13 =	sadd.s32 $0x40, s13;
	v13 =	vsel vm0, $0x1, v0;
	v7 =	vld.idx.msk [tilespmem:v1+s8+$0x0], $0xffff;
	v4 =	vmul.f32 $5.000000000e-01, v5;
	vm3 =	vgt.f32 v6, $5.000000000e-01;
	v2 =	vmovc v14  }
.Ltmp1:
0x55: {  	v8 =	vsel vm1, $0x1, v0;
	v9 =	vsel vm2, $0x1, v0;
	v6 =	vld [tilespmem:s13+$0x10];
	v14 =	vsel vm3, $0x1, v0;
	[tilespmem:s10+$0xFFFFFFE0] =	vst v13;
	v1 =	vmovc v15;
	(pc) =	sbr.rel @p0 .LBB2_4-.Ltmp1, $4  }
0x56: {  	v13 =	vld.idx.msk [tilespmem:v16+s8+$0x0], $0xffff;
	[tilespmem:s12+$0x10] =	vst v14;
	v5 =	vmov v12  }
0x57: {  	v12 =	vld [tilespmem:s13+$0xFFFFFFE0];
	[tilespmem:s10+$0xFFFFFFF0] =	vst v8  }
0x58: {  	v14 =	vmul.f32 v17, v20;
	v8 =	vld [tilespmem:s13+$0xFFFFFFF0];
	[tilespmem:s10+$0x0] =	vst v9;
	s10 =	smov.u32 s12;
	s12 =	smov.u32 s17  }
0x59: {  	s17 =	sadd.s32 $0x40, s17;
	v15 =	vmul.f32 v19, v21;
	v9 =	vld [tilespmem:s13+$0x0]  }
0x5a: {  	_ =	sdelay $0x3  }
0x5b: {  	v16 =	vsub.f32 $1.000000000e+00, v6;
	v10 =	vadd.f32 v10, v14;
	v5 =	vld.idx.msk [tilespmem:v5+s8+$0x0], $0xffff  }
0x5c: {  	v3 =	vmul.f32 v3, v7;
	v2 =	vld.idx.msk [tilespmem:v2+s8+$0x0], $0xffff;
	v53 =	vadd.f32 v11, v15;
	v55 =	vmul.f32 v6, v13  }
0x5d: {  	v1 =	vld.idx.msk [tilespmem:v1+s8+$0x0], $0xffff;
	v54 =	vsub.f32 $1.000000000e+00, v12;
	v56 =	vmul.f32 $5.000000000e-01, v16;
	vm0 =	vgt.f32 v10, $5.000000000e-01  }
0x5e: {  	v3 =	vadd.f32 v4, v3;
	v57 =	vsub.f32 $1.000000000e+00, v8;
	vm1 =	vgt.f32 v53, $5.000000000e-01  }
0x5f: {  	v61 =	vsel vm0, $0x1, v0;
	v58 =	vsub.f32 $1.000000000e+00, v9;
	v59 =	vmul.f32 $5.000000000e-01, v54  }
0x60: {  	v6 =	vadd.f32 v56, v55;
	vm12 =	vgt.f32 v3, $5.000000000e-01;
	v5 =	vmul.f32 v12, v5  }
0x61: {  	v3 =	vsel vm1, $0x1, v0;
	v60 =	vmul.f32 $5.000000000e-01, v57;
	v2 =	vmul.f32 v8, v2  }
0x62: {  	[tilespmem:s10+$0xFFFFFFE0] =	vst v61;
	v1 =	vmul.f32 v9, v1;
	v4 =	vmul.f32 $5.000000000e-01, v58;
	v5 =	vadd.f32 v59, v5  }
0x63: {  	v63 =	vsel vm12, $0x1, v0;
	[tilespmem:s10+$0xFFFFFFF0] =	vst v3;
	vm2 =	vgt.f32 v6, $5.000000000e-01;
	v2 =	vadd.f32 v60, v2  }
0x64: {  	[tilespmem:s10+$0x0] =	vst v63;
	v62 =	vsel vm2, $0x1, v0;
	v1 =	vadd.f32 v4, v1;
	vm13 =	vgt.f32 v5, $5.000000000e-01  }
0x65: {  	[tilespmem:s12+$0x10] =	vst v62;
	vm14 =	vgt.f32 v2, $5.000000000e-01;
	v2 =	vsel vm13, $0x1, v0  }
0x66: {  	vm15 =	vgt.f32 v1, $5.000000000e-01;
	v1 =	vsel vm14, $0x1, v0;
	[tilespmem:s12+$0xFFFFFFE0] =	vst v2  }
0x67: {  	v2 =	vsel vm15, $0x1, v0;
	[tilespmem:s12+$0xFFFFFFF0] =	vst v1  }
0x68: {  	[tilespmem:s12+$0x0] =	vst v2  }
.LBB2_6:
0x69: {  	s7 =	sshra.s32 s8, $0x2  }
0x6a: {  	v1 =	vld [tilespmem:s7+$0x19680];
	_ =	sdelay $0x5  }
0x6b: {  	v2 =	vld [tilespmem:s7+$0x1D680];
	_ =	sdelay $0x1  }
0x6c: {  	v1 =	vld.idx.msk [tilespmem:v1+s4+$0x0], $0xffff;
	_ =	sdelay $0x2  }
0x6d: {  	v3 =	vsub.f32 $1.000000000e+00, v2;
	_ =	sdelay $0x1  }
0x6e: {  	v1 =	vmul.f32 v2, v1;
	v2 =	vmul.f32 $5.000000000e-01, v3  }
0x6f: {  	p0 =	sne.s32 s8, $0x40  }
.Ltmp2:
0x70: {  	v1 =	vadd.f32 v2, v1;
	(pc) =	sbr.rel @p0 .LBB2_6-.Ltmp2, $4  }
0x71: {  	_ = 	snop  }
0x72: {  	vm0 =	vgt.f32 v1, $5.000000000e-01  }
0x73: {  	v1 =	vsel vm0, $0x1, v0  }
0x74: {  	s8 =	sadd.s32 $0x40, s8;
	[tilespmem:s7+$0x19680] =	vst v1  }
0x75: {  	s8 =	simm.s32 $0x0;
	s7 =	rddreg [dreg:$0x8]  }
0x76: {  	[tilespmem:s23], [sflag:$0x2] =	stream.linear.gather [hbm4b:s7+s8], $0xFA0, $0x38;
	[tilespmem:$0x1FF80] =	vst v63  }
0x77: {  	s18 =	rddreg [dreg:$0x9]  }
0x78: {  	[tilespmem:s28], [sflag:$0x2] =	stream.linear.gather [hbm4b:s18+s8], $0xFA0, $0x38;
	[tilespmem:$0x1FF80] =	vst v63  }
0x79: {  	s19 =	rddreg [dreg:$0xa]  }
0x7a: {  	[tilespmem:s29], [sflag:$0x2] =	stream.linear.gather [hbm4b:s19+s8], $0xFA0, $0x38;
	[tilespmem:$0x1FF80] =	vst v63  }
0x7b: {  	s10 =	simm.s32 $0x0  }
0x7c: {  	[spmem:s3] =	stream.indirect.scatter.add.s32 [tilespmem:s20], [sflag:$0x3], $0x1, s21, s30, $0xb8;
	[tilespmem:$0x1FF80] =	vst v63  }
.LBB2_8:
0x7d: {  	_ =	swait.ge [sflag:s31], $0xFA0  }
0x7e: {  	[sflag:s31] =	ssyncset.done $0x0  }
0x7f: {  	[sflag:s31] =	ssyncadd.s32 $0xFFFFF060  }
0x80: {  	_ =	swait.ge [sflag:s31], $0xFA0  }
0x81: {  	[sflag:s31] =	ssyncset.done $0x0  }
0x82: {  	[sflag:s31] =	ssyncadd.s32 $0xFFFFF060  }
0x83: {  	_ =	swait.ge [sflag:s31], $0xFA0  }
0x84: {  	[sflag:s31] =	ssyncset.done $0x0  }
0x85: {  	s12 =	simm.s32 $0x19720;
	[sflag:s31] =	ssyncadd.s32 $0xFFFFF060  }
0x86: {  	v1 =	vld [tilespmem:s12+$0x10]  }
0x87: {  	v4 =	vld [tilespmem:s12+$0xFFFFFFF0]  }
0x88: {  	v6 =	vld [tilespmem:s12+$0x0]  }
0x89: {  	s7 =	simm.s32 $0x1D720;
	v7 =	vld [tilespmem:s12+$0xFFFFFFE0]  }
0x8a: {  	v8 =	vld [tilespmem:s7+$0x10]  }
0x8b: {  	v10 =	vld [tilespmem:s7+$0xFFFFFFE0]  }
0x8c: {  	v15 =	vld [tilespmem:s7+$0xFFFFFFF0]  }
0x8d: {  	s13 =	simm.s32 $0x19760;
	v3 =	vld [tilespmem:s7+$0x0]  }
0x8e: {  	v11 =	vld [tilespmem:s13+$0x10]  }
0x8f: {  	v9 =	vld.idx.msk [tilespmem:v1+s8+$0x0], $0xffff  }
0x90: {  	v2 =	vld [tilespmem:s13+$0x0]  }
0x91: {  	v5 =	vld [tilespmem:s13+$0xFFFFFFE0]  }
0x92: {  	v12 =	vsub.f32 $1.000000000e+00, v8;
	v1 =	vld [tilespmem:s13+$0xFFFFFFF0]  }
0x93: {  	v14 =	vld.idx.msk [tilespmem:v7+s8+$0x0], $0xffff  }
0x94: {  	v16 =	vld.idx.msk [tilespmem:v4+s8+$0x0], $0xffff;
	v8 =	vmul.f32 v8, v9;
	v9 =	vmul.f32 $5.000000000e-01, v12  }
0x95: {  	s17 =	simm.s32 $0x1D760;
	v7 =	vld.idx.msk [tilespmem:v6+s8+$0x0], $0xffff  }
0x96: {  	v17 =	vsub.f32 $1.000000000e+00, v15;
	v6 =	vld [tilespmem:s17+$0x10];
	v9 =	vadd.f32 v9, v8  }
0x97: {  	v4 =	vsub.f32 $1.000000000e+00, v10;
	v13 =	vld.idx.msk [tilespmem:v11+s8+$0x0], $0xffff  }
0x98: {  	v18 =	vsub.f32 $1.000000000e+00, v3;
	v11 =	vmul.f32 $5.000000000e-01, v17;
	v12 =	vld [tilespmem:s17+$0xFFFFFFE0];
	vm0 =	vgt.f32 v9, $5.000000000e-01  }
0x99: {  	v14 =	vmul.f32 v10, v14;
	v8 =	vmul.f32 $5.000000000e-01, v4;
	v9 =	vld [tilespmem:s17+$0xFFFFFFF0];
	v17 =	vsel vm0, $0x1, v0  }
0x9a: {  	s18 =	simm.s32 $0x4;
	s19 =	simm.s32 $0x197A0;
	s14 =	simm.s32 $0x0;
	v10 =	vld [tilespmem:s17+$0x0];
	v15 =	vmul.f32 v15, v16;
	v4 =	vmul.f32 $5.000000000e-01, v18;
	[tilespmem:s12+$0x10] =	vst v17  }
.LBB2_9:
0x9b: {  	v16 =	vld [tilespmem:s19+$0x10];
	s18 =	sadd.s32 $0x4, s18;
	v18 =	vsub.f32 $1.000000000e+00, v6;
	v8 =	vadd.f32 v8, v14;
	v3 =	vmul.f32 v3, v7  }
0x9c: {  	v14 =	vld [tilespmem:s19+$0xFFFFFFF0];
	p0 =	slt.u32 s18, $0xF4;
	v7 =	vadd.f32 v11, v15  }
0x9d: {  	v6 =	vmul.f32 v6, v13;
	v15 =	vld [tilespmem:s19+$0x0];
	v11 =	vsub.f32 $1.000000000e+00, v12;
	v13 =	vmul.f32 $5.000000000e-01, v18;
	v17 =	vmovc v12  }
0x9e: {  	vm0 =	vgt.f32 v8, $5.000000000e-01;
	v4 =	vadd.f32 v4, v3;
	v12 =	vld [tilespmem:s19+$0xFFFFFFE0];
	v18 =	vsub.f32 $1.000000000e+00, v9;
	v19 =	vmovc v9  }
0x9f: {  	v20 =	vld.idx.msk [tilespmem:v5+s14+$0x0], $0xffff;
	v8 =	vmul.f32 $5.000000000e-01, v11;
	v5 =	vsub.f32 $1.000000000e+00, v10;
	v6 =	vadd.f32 v13, v6;
	v3 =	vmovc v10  }
0xa0: {  	vm1 =	vgt.f32 v7, $5.000000000e-01;
	vm2 =	vgt.f32 v4, $5.000000000e-01;
	v21 =	vld.idx.msk [tilespmem:v1+s14+$0x0], $0xffff;
	v11 =	vmul.f32 $5.000000000e-01, v18  }
0xa1: {  	s17 =	sadd.s32 $0x40, s17;
	v13 =	vsel vm0, $0x1, v0;
	v7 =	vld.idx.msk [tilespmem:v2+s14+$0x0], $0xffff;
	v4 =	vmul.f32 $5.000000000e-01, v5;
	vm3 =	vgt.f32 v6, $5.000000000e-01;
	v1 =	vmovc v14  }
.Ltmp3:
0xa2: {  	v9 =	vsel vm1, $0x1, v0;
	v10 =	vsel vm2, $0x1, v0;
	s14 =	simm.s32 $0x0;
	v6 =	vld [tilespmem:s17+$0x10];
	v14 =	vsel vm3, $0x1, v0;
	[tilespmem:s12+$0xFFFFFFE0] =	vst v13;
	v2 =	vmovc v15;
	(pc) =	sbr.rel @p0 .LBB2_9-.Ltmp3, $4  }
0xa3: {  	v13 =	vld.idx.msk [tilespmem:v16+s14+$0x0], $0xffff;
	[tilespmem:s13+$0x10] =	vst v14;
	v5 =	vmov v12  }
0xa4: {  	v12 =	vld [tilespmem:s17+$0xFFFFFFE0];
	[tilespmem:s12+$0xFFFFFFF0] =	vst v9  }
0xa5: {  	v14 =	vmul.f32 v17, v20;
	v9 =	vld [tilespmem:s17+$0xFFFFFFF0];
	[tilespmem:s12+$0x0] =	vst v10;
	s12 =	smov.u32 s13;
	s13 =	smov.u32 s19  }
0xa6: {  	s19 =	sadd.s32 $0x40, s19;
	v15 =	vmul.f32 v19, v21;
	v10 =	vld [tilespmem:s17+$0x0]  }
0xa7: {  	_ =	sdelay $0x3  }
0xa8: {  	v16 =	vsub.f32 $1.000000000e+00, v6;
	v8 =	vadd.f32 v8, v14;
	v5 =	vld.idx.msk [tilespmem:v5+s14+$0x0], $0xffff  }
0xa9: {  	v3 =	vmul.f32 v3, v7;
	v1 =	vld.idx.msk [tilespmem:v1+s14+$0x0], $0xffff;
	v53 =	vadd.f32 v11, v15;
	v55 =	vmul.f32 v6, v13  }
0xaa: {  	v2 =	vld.idx.msk [tilespmem:v2+s14+$0x0], $0xffff;
	v54 =	vsub.f32 $1.000000000e+00, v12;
	v56 =	vmul.f32 $5.000000000e-01, v16;
	vm0 =	vgt.f32 v8, $5.000000000e-01  }
0xab: {  	v3 =	vadd.f32 v4, v3;
	v57 =	vsub.f32 $1.000000000e+00, v9;
	vm1 =	vgt.f32 v53, $5.000000000e-01  }
0xac: {  	v61 =	vsel vm0, $0x1, v0;
	v58 =	vsub.f32 $1.000000000e+00, v10;
	v59 =	vmul.f32 $5.000000000e-01, v54  }
0xad: {  	v6 =	vadd.f32 v56, v55;
	vm12 =	vgt.f32 v3, $5.000000000e-01;
	v5 =	vmul.f32 v12, v5  }
0xae: {  	v3 =	vsel vm1, $0x1, v0;
	v60 =	vmul.f32 $5.000000000e-01, v57;
	v1 =	vmul.f32 v9, v1  }
0xaf: {  	[tilespmem:s12+$0xFFFFFFE0] =	vst v61;
	v2 =	vmul.f32 v10, v2;
	v4 =	vmul.f32 $5.000000000e-01, v58;
	v5 =	vadd.f32 v59, v5  }
0xb0: {  	v63 =	vsel vm12, $0x1, v0;
	[tilespmem:s12+$0xFFFFFFF0] =	vst v3;
	vm2 =	vgt.f32 v6, $5.000000000e-01;
	v1 =	vadd.f32 v60, v1  }
0xb1: {  	[tilespmem:s12+$0x0] =	vst v63;
	v62 =	vsel vm2, $0x1, v0;
	v2 =	vadd.f32 v4, v2;
	vm13 =	vgt.f32 v5, $5.000000000e-01  }
0xb2: {  	[tilespmem:s13+$0x10] =	vst v62;
	vm14 =	vgt.f32 v1, $5.000000000e-01;
	v1 =	vsel vm13, $0x1, v0  }
0xb3: {  	vm15 =	vgt.f32 v2, $5.000000000e-01;
	[tilespmem:s13+$0xFFFFFFE0] =	vst v1;
	v1 =	vsel vm14, $0x1, v0  }
0xb4: {  	v2 =	vsel vm15, $0x1, v0;
	[tilespmem:s13+$0xFFFFFFF0] =	vst v1  }
0xb5: {  	[tilespmem:s13+$0x0] =	vst v2  }
.LBB2_11:
0xb6: {  	s7 =	sshra.s32 s14, $0x2  }
0xb7: {  	v1 =	vld [tilespmem:s7+$0x1A680];
	_ =	sdelay $0x5  }
0xb8: {  	v2 =	vld [tilespmem:s7+$0x1E680];
	_ =	sdelay $0x1  }
0xb9: {  	v1 =	vld.idx.msk [tilespmem:v1+s4+$0x0], $0xffff;
	_ =	sdelay $0x2  }
0xba: {  	v3 =	vsub.f32 $1.000000000e+00, v2;
	_ =	sdelay $0x1  }
0xbb: {  	v1 =	vmul.f32 v2, v1;
	v2 =	vmul.f32 $5.000000000e-01, v3  }
0xbc: {  	p0 =	sne.s32 s14, $0x40  }
.Ltmp4:
0xbd: {  	v1 =	vadd.f32 v2, v1;
	(pc) =	sbr.rel @p0 .LBB2_11-.Ltmp4, $4  }
0xbe: {  	_ = 	snop  }
0xbf: {  	vm0 =	vgt.f32 v1, $5.000000000e-01  }
0xc0: {  	v1 =	vsel vm0, $0x1, v0  }
0xc1: {  	s14 =	sadd.s32 $0x40, s14;
	[tilespmem:s7+$0x1A680] =	vst v1  }
0xc2: {  	s12 =	smul.u32 $0x1F40, s10;
	_ =	sdelay $0x1  }
0xc3: {  	_ =	swait.ge [sflag:s0], $0xFA0;
	s7 =	sadd.s32 s12, s15  }
0xc4: {  	[sflag:s0] =	ssyncset.done $0x0;
	s7 =	sshrl.u32 s7, $0x3  }
0xc5: {  	[sflag:s0] =	ssyncadd.s32 $0xFFFFF060;
	s13 =	sadd.s32 s5, s7  }
0xc6: {  	[tilespmem:s20], [sflag:$0x1] =	stream.linear.gather [hbm4b:s13+s4], $0xFA0, $0x38;
	[tilespmem:$0x1FF80] =	vst v63  }
0xc7: {  	s13 =	sadd.s32 $0x61A80, s13  }
0xc8: {  	[tilespmem:s21], [sflag:$0x1] =	stream.linear.gather [hbm4b:s13+s4], $0xFA0, $0x38;
	[tilespmem:$0x1FF80] =	vst v63  }
0xc9: {  	s7 =	sadd.s32 s2, s7  }
0xca: {  	[tilespmem:s22], [sflag:$0x1] =	stream.linear.gather [hbm4b:s7+s4], $0xFA0, $0x38;
	[tilespmem:$0x1FF80] =	vst v63  }
0xcb: {  	_ = 	snop  }
0xcc: {  	[spmem:s3] =	stream.indirect.scatter.add.s32 [tilespmem:s23], [sflag:$0x4], $0x1, s28, s30, $0xb8;
	[tilespmem:$0x1FF80] =	vst v63  }
0xcd: {  	_ =	swait.ge [sflag:s26], $0xFA0  }
0xce: {  	[sflag:s26] =	ssyncset.done $0x0  }
0xcf: {  	[sflag:s26] =	ssyncadd.s32 $0xFFFFF060  }
0xd0: {  	_ =	swait.ge [sflag:s26], $0xFA0  }
0xd1: {  	[sflag:s26] =	ssyncset.done $0x0  }
0xd2: {  	[sflag:s26] =	ssyncadd.s32 $0xFFFFF060  }
0xd3: {  	_ =	swait.ge [sflag:s26], $0xFA0  }
0xd4: {  	[sflag:s26] =	ssyncset.done $0x0  }
0xd5: {  	s14 =	simm.s32 $0x18720;
	[sflag:s26] =	ssyncadd.s32 $0xFFFFF060  }
0xd6: {  	v1 =	vld [tilespmem:s14+$0x10]  }
0xd7: {  	v4 =	vld [tilespmem:s14+$0xFFFFFFF0]  }
0xd8: {  	v6 =	vld [tilespmem:s14+$0x0]  }
0xd9: {  	s19 =	simm.s32 $0x1C720;
	v7 =	vld [tilespmem:s14+$0xFFFFFFE0]  }
0xda: {  	v8 =	vld [tilespmem:s19+$0x10]  }
0xdb: {  	v14 =	vld [tilespmem:s19+$0xFFFFFFE0]  }
0xdc: {  	v15 =	vld [tilespmem:s19+$0xFFFFFFF0]  }
0xdd: {  	s17 =	simm.s32 $0x18760;
	v3 =	vld [tilespmem:s19+$0x0]  }
0xde: {  	s13 =	simm.s32 $0x0;
	v10 =	vld [tilespmem:s17+$0x10]  }
0xdf: {  	v9 =	vld.idx.msk [tilespmem:v1+s13+$0x0], $0xffff  }
0xe0: {  	v2 =	vld [tilespmem:s17+$0xFFFFFFF0]  }
0xe1: {  	s18 =	simm.s32 $0x1C760;
	v5 =	vld [tilespmem:s17+$0xFFFFFFE0]  }
0xe2: {  	v12 =	vld [tilespmem:s18+$0xFFFFFFE0];
	v11 =	vsub.f32 $1.000000000e+00, v8  }
0xe3: {  	v16 =	vld.idx.msk [tilespmem:v7+s13+$0x0], $0xffff  }
0xe4: {  	v17 =	vld.idx.msk [tilespmem:v4+s13+$0x0], $0xffff;
	v8 =	vmul.f32 v8, v9;
	v9 =	vmul.f32 $5.000000000e-01, v11  }
0xe5: {  	v7 =	vld.idx.msk [tilespmem:v6+s13+$0x0], $0xffff  }
0xe6: {  	v4 =	vsub.f32 $1.000000000e+00, v14;
	v6 =	vld [tilespmem:s18+$0x10];
	v8 =	vadd.f32 v9, v8  }
0xe7: {  	v1 =	vld [tilespmem:s17+$0x0];
	v9 =	vsub.f32 $1.000000000e+00, v15  }
0xe8: {  	v18 =	vsub.f32 $1.000000000e+00, v3;
	v13 =	vld.idx.msk [tilespmem:v10+s13+$0x0], $0xffff;
	v10 =	vmul.f32 $5.000000000e-01, v4;
	vm0 =	vgt.f32 v8, $5.000000000e-01  }
0xe9: {  	v14 =	vmul.f32 v14, v16;
	v11 =	vmul.f32 $5.000000000e-01, v9;
	v8 =	vld [tilespmem:s18+$0xFFFFFFF0];
	v9 =	vsel vm0, $0x1, v0  }
0xea: {  	s7 =	simm.s32 $0x187A0;
	s19 =	simm.s32 $0x4;
	v4 =	vmul.f32 $5.000000000e-01, v18;
	v15 =	vmul.f32 v15, v17;
	[tilespmem:s14+$0x10] =	vst v9;
	v9 =	vld [tilespmem:s18+$0x0]  }
.LBB2_13:
0xeb: {  	v16 =	vld [tilespmem:s7+$0x10];
	s19 =	sadd.s32 $0x4, s19;
	v18 =	vsub.f32 $1.000000000e+00, v6;
	v10 =	vadd.f32 v10, v14;
	v3 =	vmul.f32 v3, v7  }
0xec: {  	v14 =	vld [tilespmem:s7+$0xFFFFFFF0];
	p0 =	slt.u32 s19, $0xF4;
	v7 =	vadd.f32 v11, v15  }
0xed: {  	v6 =	vmul.f32 v6, v13;
	v15 =	vld [tilespmem:s7+$0x0];
	v11 =	vsub.f32 $1.000000000e+00, v12;
	v13 =	vmul.f32 $5.000000000e-01, v18;
	v17 =	vmovc v12  }
0xee: {  	vm0 =	vgt.f32 v10, $5.000000000e-01;
	v4 =	vadd.f32 v4, v3;
	v12 =	vld [tilespmem:s7+$0xFFFFFFE0];
	v18 =	vsub.f32 $1.000000000e+00, v8;
	v19 =	vmovc v8  }
0xef: {  	v20 =	vld.idx.msk [tilespmem:v5+s13+$0x0], $0xffff;
	v10 =	vmul.f32 $5.000000000e-01, v11;
	v5 =	vsub.f32 $1.000000000e+00, v9;
	v6 =	vadd.f32 v13, v6;
	v3 =	vmovc v9  }
0xf0: {  	vm1 =	vgt.f32 v7, $5.000000000e-01;
	vm2 =	vgt.f32 v4, $5.000000000e-01;
	v21 =	vld.idx.msk [tilespmem:v2+s13+$0x0], $0xffff;
	v11 =	vmul.f32 $5.000000000e-01, v18  }
0xf1: {  	s18 =	sadd.s32 $0x40, s18;
	v13 =	vsel vm0, $0x1, v0;
	v7 =	vld.idx.msk [tilespmem:v1+s13+$0x0], $0xffff;
	v4 =	vmul.f32 $5.000000000e-01, v5;
	vm3 =	vgt.f32 v6, $5.000000000e-01;
	v2 =	vmovc v14  }
.Ltmp5:
0xf2: {  	v8 =	vsel vm1, $0x1, v0;
	v9 =	vsel vm2, $0x1, v0;
	v6 =	vld [tilespmem:s18+$0x10];
	v14 =	vsel vm3, $0x1, v0;
	[tilespmem:s14+$0xFFFFFFE0] =	vst v13;
	v1 =	vmovc v15;
	(pc) =	sbr.rel @p0 .LBB2_13-.Ltmp5, $4  }
0xf3: {  	v13 =	vld.idx.msk [tilespmem:v16+s13+$0x0], $0xffff;
	[tilespmem:s17+$0x10] =	vst v14;
	v5 =	vmov v12  }
0xf4: {  	v12 =	vld [tilespmem:s18+$0xFFFFFFE0];
	[tilespmem:s14+$0xFFFFFFF0] =	vst v8  }
0xf5: {  	v14 =	vmul.f32 v17, v20;
	v8 =	vld [tilespmem:s18+$0xFFFFFFF0];
	[tilespmem:s14+$0x0] =	vst v9;
	s14 =	smov.u32 s17;
	s17 =	smov.u32 s7  }
0xf6: {  	s7 =	sadd.s32 $0x40, s7;
	v15 =	vmul.f32 v19, v21;
	v9 =	vld [tilespmem:s18+$0x0]  }
0xf7: {  	_ =	sdelay $0x3  }
0xf8: {  	v16 =	vsub.f32 $1.000000000e+00, v6;
	v10 =	vadd.f32 v10, v14;
	v5 =	vld.idx.msk [tilespmem:v5+s13+$0x0], $0xffff  }
0xf9: {  	v3 =	vmul.f32 v3, v7;
	v2 =	vld.idx.msk [tilespmem:v2+s13+$0x0], $0xffff;
	v53 =	vadd.f32 v11, v15;
	v55 =	vmul.f32 v6, v13  }
0xfa: {  	v1 =	vld.idx.msk [tilespmem:v1+s13+$0x0], $0xffff;
	v54 =	vsub.f32 $1.000000000e+00, v12;
	v56 =	vmul.f32 $5.000000000e-01, v16;
	vm0 =	vgt.f32 v10, $5.000000000e-01  }
0xfb: {  	v3 =	vadd.f32 v4, v3;
	v57 =	vsub.f32 $1.000000000e+00, v8;
	vm1 =	vgt.f32 v53, $5.000000000e-01  }
0xfc: {  	v61 =	vsel vm0, $0x1, v0;
	v58 =	vsub.f32 $1.000000000e+00, v9;
	v59 =	vmul.f32 $5.000000000e-01, v54  }
0xfd: {  	v6 =	vadd.f32 v56, v55;
	vm12 =	vgt.f32 v3, $5.000000000e-01;
	v5 =	vmul.f32 v12, v5  }
0xfe: {  	v3 =	vsel vm1, $0x1, v0;
	v60 =	vmul.f32 $5.000000000e-01, v57;
	v2 =	vmul.f32 v8, v2  }
0xff: {  	[tilespmem:s14+$0xFFFFFFE0] =	vst v61;
	v1 =	vmul.f32 v9, v1;
	v4 =	vmul.f32 $5.000000000e-01, v58;
	v5 =	vadd.f32 v59, v5  }
0x100: {  	v63 =	vsel vm12, $0x1, v0;
	[tilespmem:s14+$0xFFFFFFF0] =	vst v3;
	vm2 =	vgt.f32 v6, $5.000000000e-01;
	v2 =	vadd.f32 v60, v2  }
0x101: {  	[tilespmem:s14+$0x0] =	vst v63;
	v62 =	vsel vm2, $0x1, v0;
	v1 =	vadd.f32 v4, v1;
	vm13 =	vgt.f32 v5, $5.000000000e-01  }
0x102: {  	[tilespmem:s17+$0x10] =	vst v62;
	vm14 =	vgt.f32 v2, $5.000000000e-01;
	v2 =	vsel vm13, $0x1, v0  }
0x103: {  	vm15 =	vgt.f32 v1, $5.000000000e-01;
	v1 =	vsel vm14, $0x1, v0;
	[tilespmem:s17+$0xFFFFFFE0] =	vst v2  }
0x104: {  	v2 =	vsel vm15, $0x1, v0;
	[tilespmem:s17+$0xFFFFFFF0] =	vst v1  }
0x105: {  	[tilespmem:s17+$0x0] =	vst v2  }
.LBB2_15:
0x106: {  	s7 =	sshra.s32 s13, $0x2  }
0x107: {  	v1 =	vld [tilespmem:s7+$0x19680];
	_ =	sdelay $0x5  }
0x108: {  	v2 =	vld [tilespmem:s7+$0x1D680];
	_ =	sdelay $0x1  }
0x109: {  	v1 =	vld.idx.msk [tilespmem:v1+s4+$0x0], $0xffff;
	_ =	sdelay $0x2  }
0x10a: {  	v3 =	vsub.f32 $1.000000000e+00, v2;
	_ =	sdelay $0x1  }
0x10b: {  	v1 =	vmul.f32 v2, v1;
	v2 =	vmul.f32 $5.000000000e-01, v3  }
0x10c: {  	p0 =	sne.s32 s13, $0x40  }
.Ltmp6:
0x10d: {  	v1 =	vadd.f32 v2, v1;
	(pc) =	sbr.rel @p0 .LBB2_15-.Ltmp6, $4  }
0x10e: {  	_ = 	snop  }
0x10f: {  	vm0 =	vgt.f32 v1, $5.000000000e-01  }
0x110: {  	v1 =	vsel vm0, $0x1, v0  }
0x111: {  	s13 =	sadd.s32 $0x40, s13;
	[tilespmem:s7+$0x19680] =	vst v1  }
0x112: {  	s7 =	sadd.s32 s12, s16  }
0x113: {  	p0 =	slt.u32 s7, $0x30C461  }
0x114: {  	_ =	swait.ge [sflag:s1], $0xFA0;
	s7 =	simm.s32 @!p0 $0x0  }
0x115: {  	[sflag:s1] =	ssyncset.done $0x0;
	s7 =	sshrl.u32 s7, $0x3  }
0x116: {  	s10 =	sadd.s32 $0x1, s10;
	[sflag:s1] =	ssyncadd.s32 $0xFFFFF060;
	s19 =	sadd.s32 s5, s7  }
0x117: {  	[tilespmem:s23], [sflag:$0x2] =	stream.linear.gather [hbm4b:s19+s4], $0xFA0, $0x38;
	[tilespmem:$0x1FF80] =	vst v63  }
0x118: {  	p0 =	sne.s32 s10, $0xC;
	s12 =	sadd.s32 $0x61A80, s19  }
0x119: {  	[tilespmem:s28], [sflag:$0x2] =	stream.linear.gather [hbm4b:s12+s4], $0xFA0, $0x38;
	[tilespmem:$0x1FF80] =	vst v63  }
.Ltmp7:
0x11a: {  	_ = 	snop;
	(pc) =	sbr.rel @p0 .LBB2_8-.Ltmp7, $4  }
0x11b: {  	s7 =	sadd.s32 s2, s7  }
0x11c: {  	[tilespmem:s29], [sflag:$0x2] =	stream.linear.gather [hbm4b:s7+s4], $0xFA0, $0x38;
	[tilespmem:$0x1FF80] =	vst v63  }
0x11d: {  	_ = 	snop  }
0x11e: {  	[spmem:s3] =	stream.indirect.scatter.add.s32 [tilespmem:s20], [sflag:$0x3], $0x1, s21, s30, $0xb8;
	[tilespmem:$0x1FF80] =	vst v63  }
0x11f: {  	_ =	swait.ge [sflag:s0], $0xFA0  }
0x120: {  	[sflag:s0] =	ssyncset.done $0x0  }
0x121: {  	[sflag:s0] =	ssyncadd.s32 $0xFFFFF060  }
0x122: {  	_ =	swait.ge [sflag:s31], $0xFA0  }
0x123: {  	[sflag:s31] =	ssyncset.done $0x0  }
0x124: {  	[sflag:s31] =	ssyncadd.s32 $0xFFFFF060  }
0x125: {  	_ =	swait.ge [sflag:s31], $0xFA0  }
0x126: {  	[sflag:s31] =	ssyncset.done $0x0  }
0x127: {  	[sflag:s31] =	ssyncadd.s32 $0xFFFFF060  }
0x128: {  	_ =	swait.ge [sflag:s31], $0xFA0  }
0x129: {  	[sflag:s31] =	ssyncset.done $0x0  }
0x12a: {  	[sflag:s31] =	ssyncadd.s32 $0xFFFFF060  }
0x12b: {  	[bflag:$0x0] =	sbarrier.arrive $0xFFFF  }
0x12c: {  	[tilespmem:s20], [sflag:$0x6] =	stream.linear.gather [spmem:s9], $0xFA0, $0x38;
	[tilespmem:$0x1FF80] =	vst v63  }
0x12d: {  	_ =	swait.ge [sflag:s24], $0xFA0  }
0x12e: {  	[sflag:s24] =	ssyncset.done $0x0  }
0x12f: {  	[sflag:s24] =	ssyncadd.s32 $0xFFFFF060  }
0x130: {  	[tilespmem:s23], [sflag:$0x6] =	stream.linear.gather [spmem:s11], $0x8E0, $0x38;
	[tilespmem:$0x1FF80] =	vst v63  }
0x131: {  	_ =	swait.ge [sflag:s24], $0x8E0  }
0x132: {  	[sflag:s24] =	ssyncset.done $0x0  }
0x133: {  	s7 =	rddreg [dreg:$0xb];
	[sflag:s24] =	ssyncadd.s32 $0xFFFFF720  }
0x134: {  	[hbm4b:s7+s4] =	stream.linear.scatter [tilespmem:s20], [sflag:$0x6], $0xFA0, $0x38;
	[tilespmem:$0x1FF80] =	vst v63  }
0x135: {  	_ =	swait.ge [sflag:s24], $0xFA0  }
0x136: {  	[sflag:s24] =	ssyncset.done $0x0  }
0x137: {  	s18 =	rddreg [dreg:$0xc];
	[sflag:s24] =	ssyncadd.s32 $0xFFFFF060  }
0x138: {  	[hbm4b:s18+s4] =	stream.linear.scatter [tilespmem:s23], [sflag:$0x6], $0x8E0, $0x38;
	[tilespmem:$0x1FF80] =	vst v63  }
0x139: {  	_ =	swait.ge [sflag:s24], $0x8E0  }
0x13a: {  	s6 =	sadd.s32 $0x1, s6;
	s19 =	rddreg [dreg:$0xd]  }
0x13b: {  	p0 =	sne.s32 s6, s19  }
.Ltmp8:
0x13c: {  	_ = 	snop;
	(pc) =	sbr.rel @p0 .LBB2_1-.Ltmp8, $3  }
0x13d: {  	_ =	sdelay $0x1  }
0x13e: {  	[sflag:s24] =	ssyncset.done $0x0  }
0x13f: {  	[sflag:s24] =	ssyncadd.s32 $0xFFFFF720  }
0x140: {  	_ =	sfence.sel $0x180000  }
0x141: {  	[bflag:$0x0] =	sbarrier.arrive $0xFFFF  }
0x142: {  	_ =	strace $0x90000047  }
0x143: {  	s0 =	stileid.u32;
	[bflag:$0x2] =	sbarrier.arrive $0xFFFF  }
0x144: {  	p0 =	sne.s32 s0, $0x0;
	s0 =	rddreg [dreg:$0x3]  }
0x145: {  	s0 =	sadd.s32 @!p0 $0x100000, s0  }
0x146: {  	[sflag:s0] =	ssyncadd.tile.s32 @!p0 $0x1;
	_ =	shalt  }
.Lfunc_end2:
_tile_overlayer_lowered:
.L_overlay_start_2:
0x147: {  	(tag) =	ssettag $0x2  }
0x148: {  	s0 =	rddreg [dreg:$0x0];
	s2 =	stileid.u32  }
0x149: {  	s1 =	rddreg [dreg:$0x1];
	p0 =	sne.s32 s2, $0x0  }
0x14a: {  	s3 =	rddreg [dreg:$0x2];
	[bflag:$0x3] =	sbarrier.arrive $0xFFFF;
	s2 =	simm.s32 @!p0 $0x1C06  }
0x14b: {  	[timem:s3], [sflag:s2] =	dma.local @!p0 [hbm:s0], s1  }
0x14c: {  	s0 =	simm.s32 @!p0 $0x6  }
0x14d: {  	_ =	swait.ge @!p0 [sflag:s0], s1  }
0x14e: {  	s1 =	ssub.s32 @!p0 $0x0, s1;
	[sflag:s0] =	ssyncset.done @!p0 $0x0  }
0x14f: {  	[sflag:s0] =	ssyncadd.s32 @!p0 s1  }
0x150: {  	[bflag:$0x3] =	sbarrier.arrive $0xFFFF  }
0x151: {  	_ =	shalt  }

</sc_bundles>
